<compile_context>
chip_gen: v7x
topology: tpu7x:2x2x1
jax: 0.10.2.dev20260603
libtpu: 0.0.44.dev20260713+nightly
codegen_flags: <defaults>
</compile_context>

<pallas_src>
import jax
import jax.numpy as jnp
from jax import lax
from jax.experimental import pallas as pl
from jax.experimental.pallas import tpu as pltpu
from jax.experimental.pallas import tpu_sc as plsc

B, H, W, C = 4, 256, 256, 96
OUT_SZ = (2 * H) * (2 * W) * C
N = B * H * W * C
TOT_OUT = B * OUT_SZ

R = 3 * 2**19
NREG = 64
REG_PER_SC = NREG // 2

NTILE = 16
CH = N // NTILE
WS = 2048
NSUB = CH // WS
NBUF = 4
SLICE = R // NTILE
ZCH = 4096

_SH_PAD = 8192


def _decode_body(idx_ref, g_ref):
    b = pl.program_id(0)
    idx = idx_ref[...]
    q = idx >> 23
    k = (q * 11) >> 5
    off = idx - k * OUT_SZ
    g_ref[...] = off + b * OUT_SZ


def _decode(indices):
    return pl.pallas_call(
        _decode_body,
        out_shape=jax.ShapeDtypeStruct((B, H, W, C), jnp.int32),
        grid=(B, H),
        in_specs=[pl.BlockSpec((1, 1, W, C), lambda b, h: (b, h, 0, 0))],
        out_specs=pl.BlockSpec((1, 1, W, C), lambda b, h: (b, h, 0, 0)),
    )(indices)


def _sc_body(g_hbm, x_hbm, out_hbm, *refs):
    gb = refs[0:NBUF]
    xb = refs[NBUF:2 * NBUF]
    ib = refs[2 * NBUF:3 * NBUF]
    zbuf = refs[3 * NBUF]
    sh = refs[3 * NBUF + 1]
    sg = refs[3 * NBUF + 2:3 * NBUF + 2 + NBUF]
    sx = refs[3 * NBUF + 2 + NBUF:3 * NBUF + 2 + 2 * NBUF]
    sa = refs[3 * NBUF + 2 + 2 * NBUF:3 * NBUF + 2 + 3 * NBUF]

    sc = lax.axis_index("c")
    tile = lax.axis_index("s")
    lane = lax.iota(jnp.int32, 16)
    dump_u = plsc.bitcast(R + tile * 16 + lane, jnp.uint32)
    zero16 = jnp.zeros((16,), jnp.float32)
    cbase = tile * CH

    def zfill(i, _):
        zbuf[pl.ds(i * 16, 16)] = zero16
        return 0

    lax.fori_loop(0, ZCH // 16, zfill, 0)

    def pf_issue(w, p):
        base = cbase + w * WS
        pltpu.async_copy(g_hbm.at[pl.ds(base, WS)], gb[p], sg[p])
        pltpu.async_copy(x_hbm.at[pl.ds(base, WS)], xb[p], sx[p])

    def pf_wait(p):
        pltpu.make_async_copy(g_hbm.at[pl.ds(0, WS)], gb[p], sg[p]).wait()
        pltpu.make_async_copy(x_hbm.at[pl.ds(0, WS)], xb[p], sx[p]).wait()

    def add_wait(p):
        pltpu.make_async_copy(xb[p], sh.at[ib[p]], sa[p]).wait()

    def region(r, _):
        lo = (sc * REG_PER_SC + r) * R

        def zslice(i, _):
            pltpu.sync_copy(zbuf, sh.at[pl.ds(tile * SLICE + i * ZCH, ZCH)])
            return 0

        lax.fori_loop(0, SLICE // ZCH, zslice, 0)
        plsc.subcore_barrier()

        pf_issue(0, 0)
        pf_issue(1, 1)

        def quad(i, _):
            for u in range(NBUF):
                p = u
                w = i * NBUF + u
                pf_wait(p)

                def octet(j, _):
                    for v in range(8):
                        sl = pl.ds((j * 8 + v) * 16, 16)
                        t = gb[p][sl] - lo
                        tu = jnp.minimum(plsc.bitcast(t, jnp.uint32), dump_u)
                        ib[p][sl] = plsc.bitcast(tu, jnp.int32)
                    return 0

                lax.fori_loop(0, WS // 128, octet, 0)
                pltpu.async_copy(xb[p], sh.at[ib[p]], sa[p], add=True)

                p2 = (u + 2) % NBUF
                if u < 2:
                    @pl.when(i >= 1)
                    def _():
                        add_wait(p2)

                    pf_issue(w + 2, p2)
                else:
                    add_wait(p2)

                    @pl.when(i < NSUB // NBUF - 1)
                    def _():
                        pf_issue(w + 2, p2)
            return 0

        lax.fori_loop(0, NSUB // NBUF, quad, 0)
        add_wait((NSUB - 2) % NBUF)
        add_wait((NSUB - 1) % NBUF)
        plsc.subcore_barrier()
        pltpu.sync_copy(
            sh.at[pl.ds(tile * SLICE, SLICE)],
            out_hbm.at[pl.ds(lo + tile * SLICE, SLICE)],
        )
        return 0

    lax.fori_loop(0, REG_PER_SC, region, 0)


@jax.jit
def kernel(x, indices):
    g = _decode(indices).reshape(N)
    xf = x.reshape(N)
    mesh = plsc.VectorSubcoreMesh(core_axis_name="c", subcore_axis_name="s")
    scratch = (
        [pltpu.VMEM((WS,), jnp.int32) for _ in range(NBUF)]
        + [pltpu.VMEM((WS,), jnp.float32) for _ in range(NBUF)]
        + [pltpu.VMEM((WS,), jnp.int32) for _ in range(NBUF)]
        + [pltpu.VMEM((ZCH,), jnp.float32)]
        + [pltpu.VMEM_SHARED((R + _SH_PAD,), jnp.float32)]
        + [pltpu.SemaphoreType.DMA for _ in range(3 * NBUF)]
    )
    scatter = pl.kernel(
        _sc_body,
        out_type=jax.ShapeDtypeStruct((TOT_OUT,), jnp.float32),
        mesh=mesh,
        scratch_types=scratch,
    )
    out = scatter(g, xf)
    return out.reshape(B, 2 * H, 2 * W, C)

# --- scband reference (transcript-rebuilt; emitter-appended) ---
"""Pipeline reference for scband-up-sampling-using-arg-indices-43980465111285 (READ-ONLY COPY).

The authoritative reference and input builder live on the scoring server;
editing this copy changes nothing except your own understanding.
"""

import jax, jax.numpy as jnp
import numpy as np

B, H, W, C = 4, 256, 256, 96


def setup_inputs(seed: int = 0) -> dict:
    key = jax.random.key(seed)
    k1, k2 = jax.random.split(key)
    x = jax.random.normal(k1, (B, H, W, C), dtype=jnp.float32)
    # argmax-style flat indices into the [B, 2H, 2W, C] output volume
    max_val = B * (2 * H) * (2 * W) * C
    indices = jax.random.randint(k2, (B, H, W, C), 0, max_val, dtype=jnp.int32)
    return {"x": x, "indices": indices}


def reference(x, indices):
    Bs, Hs, Ws, Cs = x.shape
    out_H, out_W = 2 * Hs, 2 * Ws
    image_size = Hs * Ws * Cs  # per-batch input size
    argmax = indices.reshape(-1).astype(jnp.int32)
    max_value = x.reshape(-1)
    # indices_0: batch id derived from position (matmul(range, ones) in original)
    idx0 = jnp.repeat(jnp.arange(Bs, dtype=jnp.int32), image_size)
    idx1 = (argmax % (image_size * 4)) // (out_W * Cs)
    idx2 = (argmax % (out_W * Cs)) // Cs
    idx3 = argmax % Cs
    # tf.scatter_nd sums contributions at duplicate indices -> .at[].add
    output = jnp.zeros((Bs, out_H, out_W, Cs), dtype=x.dtype).at[idx0, idx1, idx2, idx3].add(max_value)
    return output

if __name__ == "__main__":
    import jax
    _d = setup_inputs()
    print(jax.jit(kernel)(*tuple(_d.values())))

</pallas_src>

<mosaic_0001>
#map = affine_map<(d0, d1) -> (0)>
module attributes {stable_mosaic.version = 14 : i64} {
  func.func @_sc_body(%arg0: i32, %arg1: i32, %arg2: memref<25165824xi32, #tpu.memory_space<hbm>>, %arg3: memref<25165824xf32, #tpu.memory_space<hbm>>, %arg4: memref<100663296xf32, #tpu.memory_space<hbm>>, %arg5: memref<2048xi32, #tpu.memory_space<vmem>>, %arg6: memref<2048xi32, #tpu.memory_space<vmem>>, %arg7: memref<2048xi32, #tpu.memory_space<vmem>>, %arg8: memref<2048xi32, #tpu.memory_space<vmem>>, %arg9: memref<2048xf32, #tpu.memory_space<vmem>>, %arg10: memref<2048xf32, #tpu.memory_space<vmem>>, %arg11: memref<2048xf32, #tpu.memory_space<vmem>>, %arg12: memref<2048xf32, #tpu.memory_space<vmem>>, %arg13: memref<2048xi32, #tpu.memory_space<vmem>>, %arg14: memref<2048xi32, #tpu.memory_space<vmem>>, %arg15: memref<2048xi32, #tpu.memory_space<vmem>>, %arg16: memref<2048xi32, #tpu.memory_space<vmem>>, %arg17: memref<4096xf32, #tpu.memory_space<vmem>>, %arg18: memref<1581056xf32, #tpu.memory_space<vmem_shared>>, %arg19: memref<!tpu.dma_semaphore, #tpu.memory_space<semaphore_mem>>, %arg20: memref<!tpu.dma_semaphore, #tpu.memory_space<semaphore_mem>>, %arg21: memref<!tpu.dma_semaphore, #tpu.memory_space<semaphore_mem>>, %arg22: memref<!tpu.dma_semaphore, #tpu.memory_space<semaphore_mem>>, %arg23: memref<!tpu.dma_semaphore, #tpu.memory_space<semaphore_mem>>, %arg24: memref<!tpu.dma_semaphore, #tpu.memory_space<semaphore_mem>>, %arg25: memref<!tpu.dma_semaphore, #tpu.memory_space<semaphore_mem>>, %arg26: memref<!tpu.dma_semaphore, #tpu.memory_space<semaphore_mem>>, %arg27: memref<!tpu.dma_semaphore, #tpu.memory_space<semaphore_mem>>, %arg28: memref<!tpu.dma_semaphore, #tpu.memory_space<semaphore_mem>>, %arg29: memref<!tpu.dma_semaphore, #tpu.memory_space<semaphore_mem>>, %arg30: memref<!tpu.dma_semaphore, #tpu.memory_space<semaphore_mem>>) attributes {dimension_semantics = [#tpu.dimension_semantics<core_parallel>, #tpu.dimension_semantics<subcore_parallel>], iteration_bounds = array<i64: 2, 16>, scalar_prefetch = 0 : i64, scratch_operands = 26 : i64, tpu.core_type = #tpu.core_type<sc_vector_subcore>, window_params = [{transform_indices = #map}, {transform_indices = #map}, {transform_indices = #map}]} {
    %iota3A = tpu.iota {dimensions = array<i32: 0>} : vector<16xi32>
    %mul3A = arith.constant 16 : i32
    %mul3A_0 = arith.muli %arg1, %mul3A : i32
    %add3A = arith.constant 1572864 : i32
    %add3A_1 = arith.addi %add3A, %mul3A_0 : i32
    %add3A_2 = vector.broadcast %add3A_1 : i32 to vector<16xi32>
    %add3A_3 = arith.addi %add3A_2, %iota3A : vector<16xi32>
    %bitcast3A = vector.bitcast %add3A_3 : vector<16xi32> to vector<16xi32>
    %broadcast_in_dim3A = arith.constant 0.000000e+00 : f32
    %broadcast_in_dim3A_4 = vector.broadcast %broadcast_in_dim3A : f32 to vector<16xf32>
    %mul3A_5 = arith.constant 1572864 : i32
    %mul3A_6 = arith.muli %arg1, %mul3A_5 : i32
    %scan3A = arith.constant 0 : i32
    %scan3A_7 = arith.constant 0 : i32
    %scan3A_8 = arith.constant 256 : i32
    %scan3A_9 = arith.addi %scan3A_7, %scan3A_8 : i32
    %scan3A_10 = arith.constant 1 : i32
    %scan3A_11 = scf.for %scan3A_20 = %scan3A_7 to %scan3A_9 step %scan3A_10 iter_args(%scan3A_21 = %scan3A) -> (i32)  : i32 {
      %mul3A_22 = arith.constant 16 : i32
      %mul3A_23 = arith.muli %scan3A_20, %mul3A_22 : i32
      %swap3A = arith.index_cast %mul3A_23 : i32 to index
      %swap3A_24 = tpu.vector_load %arg17[%swap3A] {strides = array<i32>} : memref<4096xf32, #tpu.memory_space<vmem>>, vector<16xf32>,
      %swap3A_25 = vector.shape_cast %swap3A_24 : vector<16xf32> to vector<16xf32>
      %swap3A_26 = vector.shape_cast %broadcast_in_dim3A_4 : vector<16xf32> to vector<16xf32>
      tpu.vector_store %arg17[%swap3A], %swap3A_26 {strides = array<i32>} : memref<4096xf32, #tpu.memory_space<vmem>>, vector<16xf32>,
      %scan3A_27 = arith.constant 0 : i32
      scf.yield %scan3A_27 : i32
    }
    %scan3A_12 = arith.constant 256 : i32
    %scan3A_13 = arith.constant 0 : i32
    %scan3A_14 = arith.constant 0 : i32
    %scan3A_15 = arith.constant 32 : i32
    %scan3A_16 = arith.addi %scan3A_14, %scan3A_15 : i32
    %scan3A_17 = arith.constant 1 : i32
    %scan3A_18 = scf.for %scan3A_20 = %scan3A_14 to %scan3A_16 step %scan3A_17 iter_args(%scan3A_21 = %scan3A_13) -> (i32)  : i32 {
      %mul3A_22 = arith.constant 32 : i32
      %mul3A_23 = arith.muli %arg0, %mul3A_22 : i32
      %add3A_24 = arith.addi %mul3A_23, %scan3A_20 : i32
      %mul3A_25 = arith.constant 1572864 : i32
      %mul3A_26 = arith.muli %add3A_24, %mul3A_25 : i32
      %scan3A_27 = arith.constant 0 : i32
      %scan3A_28 = arith.constant 0 : i32
      %scan3A_29 = arith.constant 24 : i32
      %scan3A_30 = arith.addi %scan3A_28, %scan3A_29 : i32
      %scan3A_31 = arith.constant 1 : i32
      %scan3A_32 = scf.for %scan3A_62 = %scan3A_28 to %scan3A_30 step %scan3A_31 iter_args(%scan3A_63 = %scan3A_27) -> (i32)  : i32 {
        %mul3A_64 = arith.constant 98304 : i32
        %mul3A_65 = arith.muli %arg1, %mul3A_64 : i32
        %mul3A_66 = arith.constant 4096 : i32
        %mul3A_67 = arith.muli %scan3A_62, %mul3A_66 : i32
        %add3A_68 = arith.addi %mul3A_65, %mul3A_67 : i32
        "tpu.region"() ({
          %run_scoped3A = tpu.sem_alloc : memref<!tpu.dma_semaphore, #tpu.memory_space<semaphore_mem>>
          %dma_start3A_70 = tpu.memref_slice %arg18[%add3A_68] : memref<1581056xf32, #tpu.memory_space<vmem_shared>> -> memref<4096xf32, #tpu.memory_space<vmem_shared>>
          %dma_start3A_71 = tpu.memref_slice %arg18[%add3A_68] : memref<1581056xf32, #tpu.memory_space<vmem_shared>> -> memref<4096xf32, #tpu.memory_space<vmem_shared>>
          tpu.enqueue_dma source(%arg17 : memref<4096xf32, #tpu.memory_space<vmem>>) target(%dma_start3A_71 : memref<4096xf32, #tpu.memory_space<vmem_shared>>) target_semaphore(%run_scoped3A : memref<!tpu.dma_semaphore, #tpu.memory_space<semaphore_mem>>)
          %dma_wait3A_72 = tpu.memref_slice %arg18[%add3A_68] : memref<1581056xf32, #tpu.memory_space<vmem_shared>> -> memref<4096xf32, #tpu.memory_space<vmem_shared>>
          %dma_wait3A_73 = tpu.memref_slice %arg18[%add3A_68] : memref<1581056xf32, #tpu.memory_space<vmem_shared>> -> memref<4096xf32, #tpu.memory_space<vmem_shared>>
          tpu.wait_dma2 semaphore(%run_scoped3A : memref<!tpu.dma_semaphore, #tpu.memory_space<semaphore_mem>>) src(%arg17 : memref<4096xf32, #tpu.memory_space<vmem>>) dst(%dma_wait3A_73 : memref<4096xf32, #tpu.memory_space<vmem_shared>>)
          tpu.yield
        }) : () -> ()
        %scan3A_69 = arith.constant 0 : i32
        scf.yield %scan3A_69 : i32
      }
      %scan3A_33 = arith.constant 24 : i32
      %barrier3A = arith.constant 0 : index
      tpu.barrier barrier_id(%barrier3A)
      %add3A_34 = arith.constant 0 : i32
      %add3A_35 = arith.addi %mul3A_6, %add3A_34 : i32
      %dma_start3A = tpu.memref_slice %arg2[%add3A_35] : memref<25165824xi32, #tpu.memory_space<hbm>> -> memref<2048xi32, #tpu.memory_space<hbm>>
      %dma_start3A_36 = tpu.memref_slice %arg2[%add3A_35] : memref<25165824xi32, #tpu.memory_space<hbm>> -> memref<2048xi32, #tpu.memory_space<hbm>>
      tpu.enqueue_dma source(%dma_start3A_36 : memref<2048xi32, #tpu.memory_space<hbm>>) target(%arg5 : memref<2048xi32, #tpu.memory_space<vmem>>) target_semaphore(%arg19 : memref<!tpu.dma_semaphore, #tpu.memory_space<semaphore_mem>>)
      %dma_start3A_37 = tpu.memref_slice %arg3[%add3A_35] : memref<25165824xf32, #tpu.memory_space<hbm>> -> memref<2048xf32, #tpu.memory_space<hbm>>
      %dma_start3A_38 = tpu.memref_slice %arg3[%add3A_35] : memref<25165824xf32, #tpu.memory_space<hbm>> -> memref<2048xf32, #tpu.memory_space<hbm>>
      tpu.enqueue_dma source(%dma_start3A_38 : memref<2048xf32, #tpu.memory_space<hbm>>) target(%arg9 : memref<2048xf32, #tpu.memory_space<vmem>>) target_semaphore(%arg23 : memref<!tpu.dma_semaphore, #tpu.memory_space<semaphore_mem>>)
      %add3A_39 = arith.constant 2048 : i32
      %add3A_40 = arith.addi %mul3A_6, %add3A_39 : i32
      %dma_start3A_41 = tpu.memref_slice %arg2[%add3A_40] : memref<25165824xi32, #tpu.memory_space<hbm>> -> memref<2048xi32, #tpu.memory_space<hbm>>
      %dma_start3A_42 = tpu.memref_slice %arg2[%add3A_40] : memref<25165824xi32, #tpu.memory_space<hbm>> -> memref<2048xi32, #tpu.memory_space<hbm>>
      tpu.enqueue_dma source(%dma_start3A_42 : memref<2048xi32, #tpu.memory_space<hbm>>) target(%arg6 : memref<2048xi32, #tpu.memory_space<vmem>>) target_semaphore(%arg20 : memref<!tpu.dma_semaphore, #tpu.memory_space<semaphore_mem>>)
      %dma_start3A_43 = tpu.memref_slice %arg3[%add3A_40] : memref<25165824xf32, #tpu.memory_space<hbm>> -> memref<2048xf32, #tpu.memory_space<hbm>>
      %dma_start3A_44 = tpu.memref_slice %arg3[%add3A_40] : memref<25165824xf32, #tpu.memory_space<hbm>> -> memref<2048xf32, #tpu.memory_space<hbm>>
      tpu.enqueue_dma source(%dma_start3A_44 : memref<2048xf32, #tpu.memory_space<hbm>>) target(%arg10 : memref<2048xf32, #tpu.memory_space<vmem>>) target_semaphore(%arg24 : memref<!tpu.dma_semaphore, #tpu.memory_space<semaphore_mem>>)
      %scan3A_45 = arith.constant 0 : i32
      %scan3A_46 = arith.constant 0 : i32
      %scan3A_47 = arith.constant 192 : i32
      %scan3A_48 = arith.addi %scan3A_46, %scan3A_47 : i32
      %scan3A_49 = arith.constant 1 : i32
      %scan3A_50 = scf.for %scan3A_62 = %scan3A_46 to %scan3A_48 step %scan3A_49 iter_args(%scan3A_63 = %scan3A_45) -> (i32)  : i32 {
        %mul3A_64 = arith.constant 4 : i32
        %mul3A_65 = arith.muli %scan3A_62, %mul3A_64 : i32
        %add3A_66 = arith.constant 0 : i32
        %add3A_67 = arith.addi %mul3A_65, %add3A_66 : i32
        %dma_wait3A_68 = arith.constant 0 : i32
        %dma_wait3A_69 = tpu.memref_slice %arg2[%dma_wait3A_68] : memref<25165824xi32, #tpu.memory_space<hbm>> -> memref<2048xi32, #tpu.memory_space<hbm>>
        %dma_wait3A_70 = arith.constant 0 : i32
        %dma_wait3A_71 = tpu.memref_slice %arg2[%dma_wait3A_70] : memref<25165824xi32, #tpu.memory_space<hbm>> -> memref<2048xi32, #tpu.memory_space<hbm>>
        tpu.wait_dma2 semaphore(%arg19 : memref<!tpu.dma_semaphore, #tpu.memory_space<semaphore_mem>>) src(%dma_wait3A_71 : memref<2048xi32, #tpu.memory_space<hbm>>) dst(%arg5 : memref<2048xi32, #tpu.memory_space<vmem>>)
        %dma_wait3A_72 = arith.constant 0 : i32
        %dma_wait3A_73 = tpu.memref_slice %arg3[%dma_wait3A_72] : memref<25165824xf32, #tpu.memory_space<hbm>> -> memref<2048xf32, #tpu.memory_space<hbm>>
        %dma_wait3A_74 = arith.constant 0 : i32
        %dma_wait3A_75 = tpu.memref_slice %arg3[%dma_wait3A_74] : memref<25165824xf32, #tpu.memory_space<hbm>> -> memref<2048xf32, #tpu.memory_space<hbm>>
        tpu.wait_dma2 semaphore(%arg23 : memref<!tpu.dma_semaphore, #tpu.memory_space<semaphore_mem>>) src(%dma_wait3A_75 : memref<2048xf32, #tpu.memory_space<hbm>>) dst(%arg9 : memref<2048xf32, #tpu.memory_space<vmem>>)
        %scan3A_76 = arith.constant 0 : i32
        %scan3A_77 = arith.constant 0 : i32
        %scan3A_78 = arith.constant 16 : i32
        %scan3A_79 = arith.addi %scan3A_77, %scan3A_78 : i32
        %scan3A_80 = arith.constant 1 : i32
        %scan3A_81 = scf.for %scan3A_187 = %scan3A_77 to %scan3A_79 step %scan3A_80 iter_args(%scan3A_188 = %scan3A_76) -> (i32)  : i32 {
          %mul3A_189 = arith.constant 8 : i32
          %mul3A_190 = arith.muli %scan3A_187, %mul3A_189 : i32
          %add3A_191 = arith.constant 0 : i32
          %add3A_192 = arith.addi %mul3A_190, %add3A_191 : i32
          %mul3A_193 = arith.constant 16 : i32
          %mul3A_194 = arith.muli %add3A_192, %mul3A_193 : i32
          %get3A = arith.index_cast %mul3A_194 : i32 to index
          %get3A_195 = tpu.vector_load %arg5[%get3A] {strides = array<i32>} : memref<2048xi32, #tpu.memory_space<vmem>>, vector<16xi32>,
          %get3A_196 = vector.shape_cast %get3A_195 : vector<16xi32> to vector<16xi32>
          %sub3A = vector.broadcast %mul3A_26 : i32 to vector<16xi32>
          %sub3A_197 = arith.subi %get3A_196, %sub3A : vector<16xi32>
          %bitcast3A_198 = vector.bitcast %sub3A_197 : vector<16xi32> to vector<16xi32>
          %min3A = arith.minui %bitcast3A_198, %bitcast3A : vector<16xi32>
          %bitcast3A_199 = vector.bitcast %min3A : vector<16xi32> to vector<16xi32>
          %swap3A = arith.index_cast %mul3A_194 : i32 to index
          %swap3A_200 = tpu.vector_load %arg13[%swap3A] {strides = array<i32>} : memref<2048xi32, #tpu.memory_space<vmem>>, vector<16xi32>,
          %swap3A_201 = vector.shape_cast %swap3A_200 : vector<16xi32> to vector<16xi32>
          %swap3A_202 = vector.shape_cast %bitcast3A_199 : vector<16xi32> to vector<16xi32>
          tpu.vector_store %arg13[%swap3A], %swap3A_202 {strides = array<i32>} : memref<2048xi32, #tpu.memory_space<vmem>>, vector<16xi32>,
          %mul3A_203 = arith.constant 8 : i32
          %mul3A_204 = arith.muli %scan3A_187, %mul3A_203 : i32
          %add3A_205 = arith.constant 1 : i32
          %add3A_206 = arith.addi %mul3A_204, %add3A_205 : i32
          %mul3A_207 = arith.constant 16 : i32
          %mul3A_208 = arith.muli %add3A_206, %mul3A_207 : i32
          %get3A_209 = arith.index_cast %mul3A_208 : i32 to index
          %get3A_210 = tpu.vector_load %arg5[%get3A_209] {strides = array<i32>} : memref<2048xi32, #tpu.memory_space<vmem>>, vector<16xi32>,
          %get3A_211 = vector.shape_cast %get3A_210 : vector<16xi32> to vector<16xi32>
          %sub3A_212 = vector.broadcast %mul3A_26 : i32 to vector<16xi32>
          %sub3A_213 = arith.subi %get3A_211, %sub3A_212 : vector<16xi32>
          %bitcast3A_214 = vector.bitcast %sub3A_213 : vector<16xi32> to vector<16xi32>
          %min3A_215 = arith.minui %bitcast3A_214, %bitcast3A : vector<16xi32>
          %bitcast3A_216 = vector.bitcast %min3A_215 : vector<16xi32> to vector<16xi32>
          %swap3A_217 = arith.index_cast %mul3A_208 : i32 to index
          %swap3A_218 = tpu.vector_load %arg13[%swap3A_217] {strides = array<i32>} : memref<2048xi32, #tpu.memory_space<vmem>>, vector<16xi32>,
          %swap3A_219 = vector.shape_cast %swap3A_218 : vector<16xi32> to vector<16xi32>
          %swap3A_220 = vector.shape_cast %bitcast3A_216 : vector<16xi32> to vector<16xi32>
          tpu.vector_store %arg13[%swap3A_217], %swap3A_220 {strides = array<i32>} : memref<2048xi32, #tpu.memory_space<vmem>>, vector<16xi32>,
          %mul3A_221 = arith.constant 8 : i32
          %mul3A_222 = arith.muli %scan3A_187, %mul3A_221 : i32
          %add3A_223 = arith.constant 2 : i32
          %add3A_224 = arith.addi %mul3A_222, %add3A_223 : i32
          %mul3A_225 = arith.constant 16 : i32
          %mul3A_226 = arith.muli %add3A_224, %mul3A_225 : i32
          %get3A_227 = arith.index_cast %mul3A_226 : i32 to index
          %get3A_228 = tpu.vector_load %arg5[%get3A_227] {strides = array<i32>} : memref<2048xi32, #tpu.memory_space<vmem>>, vector<16xi32>,
          %get3A_229 = vector.shape_cast %get3A_228 : vector<16xi32> to vector<16xi32>
          %sub3A_230 = vector.broadcast %mul3A_26 : i32 to vector<16xi32>
          %sub3A_231 = arith.subi %get3A_229, %sub3A_230 : vector<16xi32>
          %bitcast3A_232 = vector.bitcast %sub3A_231 : vector<16xi32> to vector<16xi32>
          %min3A_233 = arith.minui %bitcast3A_232, %bitcast3A : vector<16xi32>
          %bitcast3A_234 = vector.bitcast %min3A_233 : vector<16xi32> to vector<16xi32>
          %swap3A_235 = arith.index_cast %mul3A_226 : i32 to index
          %swap3A_236 = tpu.vector_load %arg13[%swap3A_235] {strides = array<i32>} : memref<2048xi32, #tpu.memory_space<vmem>>, vector<16xi32>,
          %swap3A_237 = vector.shape_cast %swap3A_236 : vector<16xi32> to vector<16xi32>
          %swap3A_238 = vector.shape_cast %bitcast3A_234 : vector<16xi32> to vector<16xi32>
          tpu.vector_store %arg13[%swap3A_235], %swap3A_238 {strides = array<i32>} : memref<2048xi32, #tpu.memory_space<vmem>>, vector<16xi32>,
          %mul3A_239 = arith.constant 8 : i32
          %mul3A_240 = arith.muli %scan3A_187, %mul3A_239 : i32
          %add3A_241 = arith.constant 3 : i32
          %add3A_242 = arith.addi %mul3A_240, %add3A_241 : i32
          %mul3A_243 = arith.constant 16 : i32
          %mul3A_244 = arith.muli %add3A_242, %mul3A_243 : i32
          %get3A_245 = arith.index_cast %mul3A_244 : i32 to index
          %get3A_246 = tpu.vector_load %arg5[%get3A_245] {strides = array<i32>} : memref<2048xi32, #tpu.memory_space<vmem>>, vector<16xi32>,
          %get3A_247 = vector.shape_cast %get3A_246 : vector<16xi32> to vector<16xi32>
          %sub3A_248 = vector.broadcast %mul3A_26 : i32 to vector<16xi32>
          %sub3A_249 = arith.subi %get3A_247, %sub3A_248 : vector<16xi32>
          %bitcast3A_250 = vector.bitcast %sub3A_249 : vector<16xi32> to vector<16xi32>
          %min3A_251 = arith.minui %bitcast3A_250, %bitcast3A : vector<16xi32>
          %bitcast3A_252 = vector.bitcast %min3A_251 : vector<16xi32> to vector<16xi32>
          %swap3A_253 = arith.index_cast %mul3A_244 : i32 to index
          %swap3A_254 = tpu.vector_load %arg13[%swap3A_253] {strides = array<i32>} : memref<2048xi32, #tpu.memory_space<vmem>>, vector<16xi32>,
          %swap3A_255 = vector.shape_cast %swap3A_254 : vector<16xi32> to vector<16xi32>
          %swap3A_256 = vector.shape_cast %bitcast3A_252 : vector<16xi32> to vector<16xi32>
          tpu.vector_store %arg13[%swap3A_253], %swap3A_256 {strides = array<i32>} : memref<2048xi32, #tpu.memory_space<vmem>>, vector<16xi32>,
          %mul3A_257 = arith.constant 8 : i32
          %mul3A_258 = arith.muli %scan3A_187, %mul3A_257 : i32
          %add3A_259 = arith.constant 4 : i32
          %add3A_260 = arith.addi %mul3A_258, %add3A_259 : i32
          %mul3A_261 = arith.constant 16 : i32
          %mul3A_262 = arith.muli %add3A_260, %mul3A_261 : i32
          %get3A_263 = arith.index_cast %mul3A_262 : i32 to index
          %get3A_264 = tpu.vector_load %arg5[%get3A_263] {strides = array<i32>} : memref<2048xi32, #tpu.memory_space<vmem>>, vector<16xi32>,
          %get3A_265 = vector.shape_cast %get3A_264 : vector<16xi32> to vector<16xi32>
          %sub3A_266 = vector.broadcast %mul3A_26 : i32 to vector<16xi32>
          %sub3A_267 = arith.subi %get3A_265, %sub3A_266 : vector<16xi32>
          %bitcast3A_268 = vector.bitcast %sub3A_267 : vector<16xi32> to vector<16xi32>
          %min3A_269 = arith.minui %bitcast3A_268, %bitcast3A : vector<16xi32>
          %bitcast3A_270 = vector.bitcast %min3A_269 : vector<16xi32> to vector<16xi32>
          %swap3A_271 = arith.index_cast %mul3A_262 : i32 to index
          %swap3A_272 = tpu.vector_load %arg13[%swap3A_271] {strides = array<i32>} : memref<2048xi32, #tpu.memory_space<vmem>>, vector<16xi32>,
          %swap3A_273 = vector.shape_cast %swap3A_272 : vector<16xi32> to vector<16xi32>
          %swap3A_274 = vector.shape_cast %bitcast3A_270 : vector<16xi32> to vector<16xi32>
          tpu.vector_store %arg13[%swap3A_271], %swap3A_274 {strides = array<i32>} : memref<2048xi32, #tpu.memory_space<vmem>>, vector<16xi32>,
          %mul3A_275 = arith.constant 8 : i32
          %mul3A_276 = arith.muli %scan3A_187, %mul3A_275 : i32
          %add3A_277 = arith.constant 5 : i32
          %add3A_278 = arith.addi %mul3A_276, %add3A_277 : i32
          %mul3A_279 = arith.constant 16 : i32
          %mul3A_280 = arith.muli %add3A_278, %mul3A_279 : i32
          %get3A_281 = arith.index_cast %mul3A_280 : i32 to index
          %get3A_282 = tpu.vector_load %arg5[%get3A_281] {strides = array<i32>} : memref<2048xi32, #tpu.memory_space<vmem>>, vector<16xi32>,
          %get3A_283 = vector.shape_cast %get3A_282 : vector<16xi32> to vector<16xi32>
          %sub3A_284 = vector.broadcast %mul3A_26 : i32 to vector<16xi32>
          %sub3A_285 = arith.subi %get3A_283, %sub3A_284 : vector<16xi32>
          %bitcast3A_286 = vector.bitcast %sub3A_285 : vector<16xi32> to vector<16xi32>
          %min3A_287 = arith.minui %bitcast3A_286, %bitcast3A : vector<16xi32>
          %bitcast3A_288 = vector.bitcast %min3A_287 : vector<16xi32> to vector<16xi32>
          %swap3A_289 = arith.index_cast %mul3A_280 : i32 to index
          %swap3A_290 = tpu.vector_load %arg13[%swap3A_289] {strides = array<i32>} : memref<2048xi32, #tpu.memory_space<vmem>>, vector<16xi32>,
          %swap3A_291 = vector.shape_cast %swap3A_290 : vector<16xi32> to vector<16xi32>
          %swap3A_292 = vector.shape_cast %bitcast3A_288 : vector<16xi32> to vector<16xi32>
          tpu.vector_store %arg13[%swap3A_289], %swap3A_292 {strides = array<i32>} : memref<2048xi32, #tpu.memory_space<vmem>>, vector<16xi32>,
          %mul3A_293 = arith.constant 8 : i32
          %mul3A_294 = arith.muli %scan3A_187, %mul3A_293 : i32
          %add3A_295 = arith.constant 6 : i32
          %add3A_296 = arith.addi %mul3A_294, %add3A_295 : i32
          %mul3A_297 = arith.constant 16 : i32
          %mul3A_298 = arith.muli %add3A_296, %mul3A_297 : i32
          %get3A_299 = arith.index_cast %mul3A_298 : i32 to index
          %get3A_300 = tpu.vector_load %arg5[%get3A_299] {strides = array<i32>} : memref<2048xi32, #tpu.memory_space<vmem>>, vector<16xi32>,
          %get3A_301 = vector.shape_cast %get3A_300 : vector<16xi32> to vector<16xi32>
          %sub3A_302 = vector.broadcast %mul3A_26 : i32 to vector<16xi32>
          %sub3A_303 = arith.subi %get3A_301, %sub3A_302 : vector<16xi32>
          %bitcast3A_304 = vector.bitcast %sub3A_303 : vector<16xi32> to vector<16xi32>
          %min3A_305 = arith.minui %bitcast3A_304, %bitcast3A : vector<16xi32>
          %bitcast3A_306 = vector.bitcast %min3A_305 : vector<16xi32> to vector<16xi32>
          %swap3A_307 = arith.index_cast %mul3A_298 : i32 to index
          %swap3A_308 = tpu.vector_load %arg13[%swap3A_307] {strides = array<i32>} : memref<2048xi32, #tpu.memory_space<vmem>>, vector<16xi32>,
          %swap3A_309 = vector.shape_cast %swap3A_308 : vector<16xi32> to vector<16xi32>
          %swap3A_310 = vector.shape_cast %bitcast3A_306 : vector<16xi32> to vector<16xi32>
          tpu.vector_store %arg13[%swap3A_307], %swap3A_310 {strides = array<i32>} : memref<2048xi32, #tpu.memory_space<vmem>>, vector<16xi32>,
          %mul3A_311 = arith.constant 8 : i32
          %mul3A_312 = arith.muli %scan3A_187, %mul3A_311 : i32
          %add3A_313 = arith.constant 7 : i32
          %add3A_314 = arith.addi %mul3A_312, %add3A_313 : i32
          %mul3A_315 = arith.constant 16 : i32
          %mul3A_316 = arith.muli %add3A_314, %mul3A_315 : i32
          %get3A_317 = arith.index_cast %mul3A_316 : i32 to index
          %get3A_318 = tpu.vector_load %arg5[%get3A_317] {strides = array<i32>} : memref<2048xi32, #tpu.memory_space<vmem>>, vector<16xi32>,
          %get3A_319 = vector.shape_cast %get3A_318 : vector<16xi32> to vector<16xi32>
          %sub3A_320 = vector.broadcast %mul3A_26 : i32 to vector<16xi32>
          %sub3A_321 = arith.subi %get3A_319, %sub3A_320 : vector<16xi32>
          %bitcast3A_322 = vector.bitcast %sub3A_321 : vector<16xi32> to vector<16xi32>
          %min3A_323 = arith.minui %bitcast3A_322, %bitcast3A : vector<16xi32>
          %bitcast3A_324 = vector.bitcast %min3A_323 : vector<16xi32> to vector<16xi32>
          %swap3A_325 = arith.index_cast %mul3A_316 : i32 to index
          %swap3A_326 = tpu.vector_load %arg13[%swap3A_325] {strides = array<i32>} : memref<2048xi32, #tpu.memory_space<vmem>>, vector<16xi32>,
          %swap3A_327 = vector.shape_cast %swap3A_326 : vector<16xi32> to vector<16xi32>
          %swap3A_328 = vector.shape_cast %bitcast3A_324 : vector<16xi32> to vector<16xi32>
          tpu.vector_store %arg13[%swap3A_325], %swap3A_328 {strides = array<i32>} : memref<2048xi32, #tpu.memory_space<vmem>>, vector<16xi32>,
          %scan3A_329 = arith.constant 0 : i32
          scf.yield %scan3A_329 : i32
        }
        %scan3A_82 = arith.constant 16 : i32
        %dma_start3A_83 = arith.constant 0 : i32
        %dma_start3A_84 = tpu.memref_slice %arg18[%dma_start3A_83] : memref<1581056xf32, #tpu.memory_space<vmem_shared>> -> memref<1581056xf32, #tpu.memory_space<vmem_shared>>
        tpu.enqueue_indirect_dma source(%arg9 : memref<2048xf32, #tpu.memory_space<vmem>>) target(%dma_start3A_84 : memref<1581056xf32, #tpu.memory_space<vmem_shared>>) offsets(%arg13 : memref<2048xi32, #tpu.memory_space<vmem>>) semaphore(%arg27 : memref<!tpu.dma_semaphore, #tpu.memory_space<semaphore_mem>>) {add = true}
        %ge3A = arith.constant 1 : i32
        %ge3A_85 = arith.cmpi sge, %scan3A_62, %ge3A : i32
        %convert_element_type3A = arith.extui %ge3A_85 : i1 to i32
        %cond3A = arith.constant 0 : i32
        %cond3A_86 = arith.cmpi ne, %convert_element_type3A, %cond3A : i32
        scf.if %cond3A_86 {
          %dma_wait3A_187 = arith.constant 0 : i32
          %dma_wait3A_188 = tpu.memref_slice %arg18[%dma_wait3A_187] : memref<1581056xf32, #tpu.memory_space<vmem_shared>> -> memref<1581056xf32, #tpu.memory_space<vmem_shared>>
          tpu.wait_indirect_dma semaphore(%arg29 : memref<!tpu.dma_semaphore, #tpu.memory_space<semaphore_mem>>) src(%arg11 : memref<2048xf32, #tpu.memory_space<vmem>>) dst(%dma_wait3A_188 : memref<1581056xf32, #tpu.memory_space<vmem_shared>>)
        } else {
        }
        %add3A_87 = arith.constant 2 : i32
        %add3A_88 = arith.addi %add3A_67, %add3A_87 : i32
        %mul3A_89 = arith.constant 2048 : i32
        %mul3A_90 = arith.muli %add3A_88, %mul3A_89 : i32
        %add3A_91 = arith.addi %mul3A_6, %mul3A_90 : i32
        %dma_start3A_92 = tpu.memref_slice %arg2[%add3A_91] : memref<25165824xi32, #tpu.memory_space<hbm>> -> memref<2048xi32, #tpu.memory_space<hbm>>
        %dma_start3A_93 = tpu.memref_slice %arg2[%add3A_91] : memref<25165824xi32, #tpu.memory_space<hbm>> -> memref<2048xi32, #tpu.memory_space<hbm>>
        tpu.enqueue_dma source(%dma_start3A_93 : memref<2048xi32, #tpu.memory_space<hbm>>) target(%arg7 : memref<2048xi32, #tpu.memory_space<vmem>>) target_semaphore(%arg21 : memref<!tpu.dma_semaphore, #tpu.memory_space<semaphore_mem>>)
        %dma_start3A_94 = tpu.memref_slice %arg3[%add3A_91] : memref<25165824xf32, #tpu.memory_space<hbm>> -> memref<2048xf32, #tpu.memory_space<hbm>>
        %dma_start3A_95 = tpu.memref_slice %arg3[%add3A_91] : memref<25165824xf32, #tpu.memory_space<hbm>> -> memref<2048xf32, #tpu.memory_space<hbm>>
        tpu.enqueue_dma source(%dma_start3A_95 : memref<2048xf32, #tpu.memory_space<hbm>>) target(%arg11 : memref<2048xf32, #tpu.memory_space<vmem>>) target_semaphore(%arg25 : memref<!tpu.dma_semaphore, #tpu.memory_space<semaphore_mem>>)
        %mul3A_96 = arith.constant 4 : i32
        %mul3A_97 = arith.muli %scan3A_62, %mul3A_96 : i32
        %add3A_98 = arith.constant 1 : i32
        %add3A_99 = arith.addi %mul3A_97, %add3A_98 : i32
        %dma_wait3A_100 = arith.constant 0 : i32
        %dma_wait3A_101 = tpu.memref_slice %arg2[%dma_wait3A_100] : memref<25165824xi32, #tpu.memory_space<hbm>> -> memref<2048xi32, #tpu.memory_space<hbm>>
        %dma_wait3A_102 = arith.constant 0 : i32
        %dma_wait3A_103 = tpu.memref_slice %arg2[%dma_wait3A_102] : memref<25165824xi32, #tpu.memory_space<hbm>> -> memref<2048xi32, #tpu.memory_space<hbm>>
        tpu.wait_dma2 semaphore(%arg20 : memref<!tpu.dma_semaphore, #tpu.memory_space<semaphore_mem>>) src(%dma_wait3A_103 : memref<2048xi32, #tpu.memory_space<hbm>>) dst(%arg6 : memref<2048xi32, #tpu.memory_space<vmem>>)
        %dma_wait3A_104 = arith.constant 0 : i32
        %dma_wait3A_105 = tpu.memref_slice %arg3[%dma_wait3A_104] : memref<25165824xf32, #tpu.memory_space<hbm>> -> memref<2048xf32, #tpu.memory_space<hbm>>
        %dma_wait3A_106 = arith.constant 0 : i32
        %dma_wait3A_107 = tpu.memref_slice %arg3[%dma_wait3A_106] : memref<25165824xf32, #tpu.memory_space<hbm>> -> memref<2048xf32, #tpu.memory_space<hbm>>
        tpu.wait_dma2 semaphore(%arg24 : memref<!tpu.dma_semaphore, #tpu.memory_space<semaphore_mem>>) src(%dma_wait3A_107 : memref<2048xf32, #tpu.memory_space<hbm>>) dst(%arg10 : memref<2048xf32, #tpu.memory_space<vmem>>)
        %scan3A_108 = arith.constant 0 : i32
        %scan3A_109 = arith.constant 0 : i32
        %scan3A_110 = arith.constant 16 : i32
        %scan3A_111 = arith.addi %scan3A_109, %scan3A_110 : i32
        %scan3A_112 = arith.constant 1 : i32
        %scan3A_113 = scf.for %scan3A_187 = %scan3A_109 to %scan3A_111 step %scan3A_112 iter_args(%scan3A_188 = %scan3A_108) -> (i32)  : i32 {
          %mul3A_189 = arith.constant 8 : i32
          %mul3A_190 = arith.muli %scan3A_187, %mul3A_189 : i32
          %add3A_191 = arith.constant 0 : i32
          %add3A_192 = arith.addi %mul3A_190, %add3A_191 : i32
          %mul3A_193 = arith.constant 16 : i32
          %mul3A_194 = arith.muli %add3A_192, %mul3A_193 : i32
          %get3A = arith.index_cast %mul3A_194 : i32 to index
          %get3A_195 = tpu.vector_load %arg6[%get3A] {strides = array<i32>} : memref<2048xi32, #tpu.memory_space<vmem>>, vector<16xi32>,
          %get3A_196 = vector.shape_cast %get3A_195 : vector<16xi32> to vector<16xi32>
          %sub3A = vector.broadcast %mul3A_26 : i32 to vector<16xi32>
          %sub3A_197 = arith.subi %get3A_196, %sub3A : vector<16xi32>
          %bitcast3A_198 = vector.bitcast %sub3A_197 : vector<16xi32> to vector<16xi32>
          %min3A = arith.minui %bitcast3A_198, %bitcast3A : vector<16xi32>
          %bitcast3A_199 = vector.bitcast %min3A : vector<16xi32> to vector<16xi32>
          %swap3A = arith.index_cast %mul3A_194 : i32 to index
          %swap3A_200 = tpu.vector_load %arg14[%swap3A] {strides = array<i32>} : memref<2048xi32, #tpu.memory_space<vmem>>, vector<16xi32>,
          %swap3A_201 = vector.shape_cast %swap3A_200 : vector<16xi32> to vector<16xi32>
          %swap3A_202 = vector.shape_cast %bitcast3A_199 : vector<16xi32> to vector<16xi32>
          tpu.vector_store %arg14[%swap3A], %swap3A_202 {strides = array<i32>} : memref<2048xi32, #tpu.memory_space<vmem>>, vector<16xi32>,
          %mul3A_203 = arith.constant 8 : i32
          %mul3A_204 = arith.muli %scan3A_187, %mul3A_203 : i32
          %add3A_205 = arith.constant 1 : i32
          %add3A_206 = arith.addi %mul3A_204, %add3A_205 : i32
          %mul3A_207 = arith.constant 16 : i32
          %mul3A_208 = arith.muli %add3A_206, %mul3A_207 : i32
          %get3A_209 = arith.index_cast %mul3A_208 : i32 to index
          %get3A_210 = tpu.vector_load %arg6[%get3A_209] {strides = array<i32>} : memref<2048xi32, #tpu.memory_space<vmem>>, vector<16xi32>,
          %get3A_211 = vector.shape_cast %get3A_210 : vector<16xi32> to vector<16xi32>
          %sub3A_212 = vector.broadcast %mul3A_26 : i32 to vector<16xi32>
          %sub3A_213 = arith.subi %get3A_211, %sub3A_212 : vector<16xi32>
          %bitcast3A_214 = vector.bitcast %sub3A_213 : vector<16xi32> to vector<16xi32>
          %min3A_215 = arith.minui %bitcast3A_214, %bitcast3A : vector<16xi32>
          %bitcast3A_216 = vector.bitcast %min3A_215 : vector<16xi32> to vector<16xi32>
          %swap3A_217 = arith.index_cast %mul3A_208 : i32 to index
          %swap3A_218 = tpu.vector_load %arg14[%swap3A_217] {strides = array<i32>} : memref<2048xi32, #tpu.memory_space<vmem>>, vector<16xi32>,
          %swap3A_219 = vector.shape_cast %swap3A_218 : vector<16xi32> to vector<16xi32>
          %swap3A_220 = vector.shape_cast %bitcast3A_216 : vector<16xi32> to vector<16xi32>
          tpu.vector_store %arg14[%swap3A_217], %swap3A_220 {strides = array<i32>} : memref<2048xi32, #tpu.memory_space<vmem>>, vector<16xi32>,
          %mul3A_221 = arith.constant 8 : i32
          %mul3A_222 = arith.muli %scan3A_187, %mul3A_221 : i32
          %add3A_223 = arith.constant 2 : i32
          %add3A_224 = arith.addi %mul3A_222, %add3A_223 : i32
          %mul3A_225 = arith.constant 16 : i32
          %mul3A_226 = arith.muli %add3A_224, %mul3A_225 : i32
          %get3A_227 = arith.index_cast %mul3A_226 : i32 to index
          %get3A_228 = tpu.vector_load %arg6[%get3A_227] {strides = array<i32>} : memref<2048xi32, #tpu.memory_space<vmem>>, vector<16xi32>,
          %get3A_229 = vector.shape_cast %get3A_228 : vector<16xi32> to vector<16xi32>
          %sub3A_230 = vector.broadcast %mul3A_26 : i32 to vector<16xi32>
          %sub3A_231 = arith.subi %get3A_229, %sub3A_230 : vector<16xi32>
          %bitcast3A_232 = vector.bitcast %sub3A_231 : vector<16xi32> to vector<16xi32>
          %min3A_233 = arith.minui %bitcast3A_232, %bitcast3A : vector<16xi32>
          %bitcast3A_234 = vector.bitcast %min3A_233 : vector<16xi32> to vector<16xi32>
          %swap3A_235 = arith.index_cast %mul3A_226 : i32 to index
          %swap3A_236 = tpu.vector_load %arg14[%swap3A_235] {strides = array<i32>} : memref<2048xi32, #tpu.memory_space<vmem>>, vector<16xi32>,
          %swap3A_237 = vector.shape_cast %swap3A_236 : vector<16xi32> to vector<16xi32>
          %swap3A_238 = vector.shape_cast %bitcast3A_234 : vector<16xi32> to vector<16xi32>
          tpu.vector_store %arg14[%swap3A_235], %swap3A_238 {strides = array<i32>} : memref<2048xi32, #tpu.memory_space<vmem>>, vector<16xi32>,
          %mul3A_239 = arith.constant 8 : i32
          %mul3A_240 = arith.muli %scan3A_187, %mul3A_239 : i32
          %add3A_241 = arith.constant 3 : i32
          %add3A_242 = arith.addi %mul3A_240, %add3A_241 : i32
          %mul3A_243 = arith.constant 16 : i32
          %mul3A_244 = arith.muli %add3A_242, %mul3A_243 : i32
          %get3A_245 = arith.index_cast %mul3A_244 : i32 to index
          %get3A_246 = tpu.vector_load %arg6[%get3A_245] {strides = array<i32>} : memref<2048xi32, #tpu.memory_space<vmem>>, vector<16xi32>,
          %get3A_247 = vector.shape_cast %get3A_246 : vector<16xi32> to vector<16xi32>
          %sub3A_248 = vector.broadcast %mul3A_26 : i32 to vector<16xi32>
          %sub3A_249 = arith.subi %get3A_247, %sub3A_248 : vector<16xi32>
          %bitcast3A_250 = vector.bitcast %sub3A_249 : vector<16xi32> to vector<16xi32>
          %min3A_251 = arith.minui %bitcast3A_250, %bitcast3A : vector<16xi32>
          %bitcast3A_252 = vector.bitcast %min3A_251 : vector<16xi32> to vector<16xi32>
          %swap3A_253 = arith.index_cast %mul3A_244 : i32 to index
          %swap3A_254 = tpu.vector_load %arg14[%swap3A_253] {strides = array<i32>} : memref<2048xi32, #tpu.memory_space<vmem>>, vector<16xi32>,
          %swap3A_255 = vector.shape_cast %swap3A_254 : vector<16xi32> to vector<16xi32>
          %swap3A_256 = vector.shape_cast %bitcast3A_252 : vector<16xi32> to vector<16xi32>
          tpu.vector_store %arg14[%swap3A_253], %swap3A_256 {strides = array<i32>} : memref<2048xi32, #tpu.memory_space<vmem>>, vector<16xi32>,
          %mul3A_257 = arith.constant 8 : i32
          %mul3A_258 = arith.muli %scan3A_187, %mul3A_257 : i32
          %add3A_259 = arith.constant 4 : i32
          %add3A_260 = arith.addi %mul3A_258, %add3A_259 : i32
          %mul3A_261 = arith.constant 16 : i32
          %mul3A_262 = arith.muli %add3A_260, %mul3A_261 : i32
          %get3A_263 = arith.index_cast %mul3A_262 : i32 to index
          %get3A_264 = tpu.vector_load %arg6[%get3A_263] {strides = array<i32>} : memref<2048xi32, #tpu.memory_space<vmem>>, vector<16xi32>,
          %get3A_265 = vector.shape_cast %get3A_264 : vector<16xi32> to vector<16xi32>
          %sub3A_266 = vector.broadcast %mul3A_26 : i32 to vector<16xi32>
          %sub3A_267 = arith.subi %get3A_265, %sub3A_266 : vector<16xi32>
          %bitcast3A_268 = vector.bitcast %sub3A_267 : vector<16xi32> to vector<16xi32>
          %min3A_269 = arith.minui %bitcast3A_268, %bitcast3A : vector<16xi32>
          %bitcast3A_270 = vector.bitcast %min3A_269 : vector<16xi32> to vector<16xi32>
          %swap3A_271 = arith.index_cast %mul3A_262 : i32 to index
          %swap3A_272 = tpu.vector_load %arg14[%swap3A_271] {strides = array<i32>} : memref<2048xi32, #tpu.memory_space<vmem>>, vector<16xi32>,
          %swap3A_273 = vector.shape_cast %swap3A_272 : vector<16xi32> to vector<16xi32>
          %swap3A_274 = vector.shape_cast %bitcast3A_270 : vector<16xi32> to vector<16xi32>
          tpu.vector_store %arg14[%swap3A_271], %swap3A_274 {strides = array<i32>} : memref<2048xi32, #tpu.memory_space<vmem>>, vector<16xi32>,
          %mul3A_275 = arith.constant 8 : i32
          %mul3A_276 = arith.muli %scan3A_187, %mul3A_275 : i32
          %add3A_277 = arith.constant 5 : i32
          %add3A_278 = arith.addi %mul3A_276, %add3A_277 : i32
          %mul3A_279 = arith.constant 16 : i32
          %mul3A_280 = arith.muli %add3A_278, %mul3A_279 : i32
          %get3A_281 = arith.index_cast %mul3A_280 : i32 to index
          %get3A_282 = tpu.vector_load %arg6[%get3A_281] {strides = array<i32>} : memref<2048xi32, #tpu.memory_space<vmem>>, vector<16xi32>,
          %get3A_283 = vector.shape_cast %get3A_282 : vector<16xi32> to vector<16xi32>
          %sub3A_284 = vector.broadcast %mul3A_26 : i32 to vector<16xi32>
          %sub3A_285 = arith.subi %get3A_283, %sub3A_284 : vector<16xi32>
          %bitcast3A_286 = vector.bitcast %sub3A_285 : vector<16xi32> to vector<16xi32>
          %min3A_287 = arith.minui %bitcast3A_286, %bitcast3A : vector<16xi32>
          %bitcast3A_288 = vector.bitcast %min3A_287 : vector<16xi32> to vector<16xi32>
          %swap3A_289 = arith.index_cast %mul3A_280 : i32 to index
          %swap3A_290 = tpu.vector_load %arg14[%swap3A_289] {strides = array<i32>} : memref<2048xi32, #tpu.memory_space<vmem>>, vector<16xi32>,
          %swap3A_291 = vector.shape_cast %swap3A_290 : vector<16xi32> to vector<16xi32>
          %swap3A_292 = vector.shape_cast %bitcast3A_288 : vector<16xi32> to vector<16xi32>
          tpu.vector_store %arg14[%swap3A_289], %swap3A_292 {strides = array<i32>} : memref<2048xi32, #tpu.memory_space<vmem>>, vector<16xi32>,
          %mul3A_293 = arith.constant 8 : i32
          %mul3A_294 = arith.muli %scan3A_187, %mul3A_293 : i32
          %add3A_295 = arith.constant 6 : i32
          %add3A_296 = arith.addi %mul3A_294, %add3A_295 : i32
          %mul3A_297 = arith.constant 16 : i32
          %mul3A_298 = arith.muli %add3A_296, %mul3A_297 : i32
          %get3A_299 = arith.index_cast %mul3A_298 : i32 to index
          %get3A_300 = tpu.vector_load %arg6[%get3A_299] {strides = array<i32>} : memref<2048xi32, #tpu.memory_space<vmem>>, vector<16xi32>,
          %get3A_301 = vector.shape_cast %get3A_300 : vector<16xi32> to vector<16xi32>
          %sub3A_302 = vector.broadcast %mul3A_26 : i32 to vector<16xi32>
          %sub3A_303 = arith.subi %get3A_301, %sub3A_302 : vector<16xi32>
          %bitcast3A_304 = vector.bitcast %sub3A_303 : vector<16xi32> to vector<16xi32>
          %min3A_305 = arith.minui %bitcast3A_304, %bitcast3A : vector<16xi32>
          %bitcast3A_306 = vector.bitcast %min3A_305 : vector<16xi32> to vector<16xi32>
          %swap3A_307 = arith.index_cast %mul3A_298 : i32 to index
          %swap3A_308 = tpu.vector_load %arg14[%swap3A_307] {strides = array<i32>} : memref<2048xi32, #tpu.memory_space<vmem>>, vector<16xi32>,
          %swap3A_309 = vector.shape_cast %swap3A_308 : vector<16xi32> to vector<16xi32>
          %swap3A_310 = vector.shape_cast %bitcast3A_306 : vector<16xi32> to vector<16xi32>
          tpu.vector_store %arg14[%swap3A_307], %swap3A_310 {strides = array<i32>} : memref<2048xi32, #tpu.memory_space<vmem>>, vector<16xi32>,
          %mul3A_311 = arith.constant 8 : i32
          %mul3A_312 = arith.muli %scan3A_187, %mul3A_311 : i32
          %add3A_313 = arith.constant 7 : i32
          %add3A_314 = arith.addi %mul3A_312, %add3A_313 : i32
          %mul3A_315 = arith.constant 16 : i32
          %mul3A_316 = arith.muli %add3A_314, %mul3A_315 : i32
          %get3A_317 = arith.index_cast %mul3A_316 : i32 to index
          %get3A_318 = tpu.vector_load %arg6[%get3A_317] {strides = array<i32>} : memref<2048xi32, #tpu.memory_space<vmem>>, vector<16xi32>,
          %get3A_319 = vector.shape_cast %get3A_318 : vector<16xi32> to vector<16xi32>
          %sub3A_320 = vector.broadcast %mul3A_26 : i32 to vector<16xi32>
          %sub3A_321 = arith.subi %get3A_319, %sub3A_320 : vector<16xi32>
          %bitcast3A_322 = vector.bitcast %sub3A_321 : vector<16xi32> to vector<16xi32>
          %min3A_323 = arith.minui %bitcast3A_322, %bitcast3A : vector<16xi32>
          %bitcast3A_324 = vector.bitcast %min3A_323 : vector<16xi32> to vector<16xi32>
          %swap3A_325 = arith.index_cast %mul3A_316 : i32 to index
          %swap3A_326 = tpu.vector_load %arg14[%swap3A_325] {strides = array<i32>} : memref<2048xi32, #tpu.memory_space<vmem>>, vector<16xi32>,
          %swap3A_327 = vector.shape_cast %swap3A_326 : vector<16xi32> to vector<16xi32>
          %swap3A_328 = vector.shape_cast %bitcast3A_324 : vector<16xi32> to vector<16xi32>
          tpu.vector_store %arg14[%swap3A_325], %swap3A_328 {strides = array<i32>} : memref<2048xi32, #tpu.memory_space<vmem>>, vector<16xi32>,
          %scan3A_329 = arith.constant 0 : i32
          scf.yield %scan3A_329 : i32
        }
        %scan3A_114 = arith.constant 16 : i32
        %dma_start3A_115 = arith.constant 0 : i32
        %dma_start3A_116 = tpu.memref_slice %arg18[%dma_start3A_115] : memref<1581056xf32, #tpu.memory_space<vmem_shared>> -> memref<1581056xf32, #tpu.memory_space<vmem_shared>>
        tpu.enqueue_indirect_dma source(%arg10 : memref<2048xf32, #tpu.memory_space<vmem>>) target(%dma_start3A_116 : memref<1581056xf32, #tpu.memory_space<vmem_shared>>) offsets(%arg14 : memref<2048xi32, #tpu.memory_space<vmem>>) semaphore(%arg28 : memref<!tpu.dma_semaphore, #tpu.memory_space<semaphore_mem>>) {add = true}
        %ge3A_117 = arith.constant 1 : i32
        %ge3A_118 = arith.cmpi sge, %scan3A_62, %ge3A_117 : i32
        %convert_element_type3A_119 = arith.extui %ge3A_118 : i1 to i32
        %cond3A_120 = arith.constant 0 : i32
        %cond3A_121 = arith.cmpi ne, %convert_element_type3A_119, %cond3A_120 : i32
        scf.if %cond3A_121 {
          %dma_wait3A_187 = arith.constant 0 : i32
          %dma_wait3A_188 = tpu.memref_slice %arg18[%dma_wait3A_187] : memref<1581056xf32, #tpu.memory_space<vmem_shared>> -> memref<1581056xf32, #tpu.memory_space<vmem_shared>>
          tpu.wait_indirect_dma semaphore(%arg30 : memref<!tpu.dma_semaphore, #tpu.memory_space<semaphore_mem>>) src(%arg12 : memref<2048xf32, #tpu.memory_space<vmem>>) dst(%dma_wait3A_188 : memref<1581056xf32, #tpu.memory_space<vmem_shared>>)
        } else {
        }
        %add3A_122 = arith.constant 2 : i32
        %add3A_123 = arith.addi %add3A_99, %add3A_122 : i32
        %mul3A_124 = arith.constant 2048 : i32
        %mul3A_125 = arith.muli %add3A_123, %mul3A_124 : i32
        %add3A_126 = arith.addi %mul3A_6, %mul3A_125 : i32
        %dma_start3A_127 = tpu.memref_slice %arg2[%add3A_126] : memref<25165824xi32, #tpu.memory_space<hbm>> -> memref<2048xi32, #tpu.memory_space<hbm>>
        %dma_start3A_128 = tpu.memref_slice %arg2[%add3A_126] : memref<25165824xi32, #tpu.memory_space<hbm>> -> memref<2048xi32, #tpu.memory_space<hbm>>
        tpu.enqueue_dma source(%dma_start3A_128 : memref<2048xi32, #tpu.memory_space<hbm>>) target(%arg8 : memref<2048xi32, #tpu.memory_space<vmem>>) target_semaphore(%arg22 : memref<!tpu.dma_semaphore, #tpu.memory_space<semaphore_mem>>)
        %dma_start3A_129 = tpu.memref_slice %arg3[%add3A_126] : memref<25165824xf32, #tpu.memory_space<hbm>> -> memref<2048xf32, #tpu.memory_space<hbm>>
        %dma_start3A_130 = tpu.memref_slice %arg3[%add3A_126] : memref<25165824xf32, #tpu.memory_space<hbm>> -> memref<2048xf32, #tpu.memory_space<hbm>>
        tpu.enqueue_dma source(%dma_start3A_130 : memref<2048xf32, #tpu.memory_space<hbm>>) target(%arg12 : memref<2048xf32, #tpu.memory_space<vmem>>) target_semaphore(%arg26 : memref<!tpu.dma_semaphore, #tpu.memory_space<semaphore_mem>>)
        %mul3A_131 = arith.constant 4 : i32
        %mul3A_132 = arith.muli %scan3A_62, %mul3A_131 : i32
        %add3A_133 = arith.constant 2 : i32
        %add3A_134 = arith.addi %mul3A_132, %add3A_133 : i32
        %dma_wait3A_135 = arith.constant 0 : i32
        %dma_wait3A_136 = tpu.memref_slice %arg2[%dma_wait3A_135] : memref<25165824xi32, #tpu.memory_space<hbm>> -> memref<2048xi32, #tpu.memory_space<hbm>>
        %dma_wait3A_137 = arith.constant 0 : i32
        %dma_wait3A_138 = tpu.memref_slice %arg2[%dma_wait3A_137] : memref<25165824xi32, #tpu.memory_space<hbm>> -> memref<2048xi32, #tpu.memory_space<hbm>>
        tpu.wait_dma2 semaphore(%arg21 : memref<!tpu.dma_semaphore, #tpu.memory_space<semaphore_mem>>) src(%dma_wait3A_138 : memref<2048xi32, #tpu.memory_space<hbm>>) dst(%arg7 : memref<2048xi32, #tpu.memory_space<vmem>>)
        %dma_wait3A_139 = arith.constant 0 : i32
        %dma_wait3A_140 = tpu.memref_slice %arg3[%dma_wait3A_139] : memref<25165824xf32, #tpu.memory_space<hbm>> -> memref<2048xf32, #tpu.memory_space<hbm>>
        %dma_wait3A_141 = arith.constant 0 : i32
        %dma_wait3A_142 = tpu.memref_slice %arg3[%dma_wait3A_141] : memref<25165824xf32, #tpu.memory_space<hbm>> -> memref<2048xf32, #tpu.memory_space<hbm>>
        tpu.wait_dma2 semaphore(%arg25 : memref<!tpu.dma_semaphore, #tpu.memory_space<semaphore_mem>>) src(%dma_wait3A_142 : memref<2048xf32, #tpu.memory_space<hbm>>) dst(%arg11 : memref<2048xf32, #tpu.memory_space<vmem>>)
        %scan3A_143 = arith.constant 0 : i32
        %scan3A_144 = arith.constant 0 : i32
        %scan3A_145 = arith.constant 16 : i32
        %scan3A_146 = arith.addi %scan3A_144, %scan3A_145 : i32
        %scan3A_147 = arith.constant 1 : i32
        %scan3A_148 = scf.for %scan3A_187 = %scan3A_144 to %scan3A_146 step %scan3A_147 iter_args(%scan3A_188 = %scan3A_143) -> (i32)  : i32 {
          %mul3A_189 = arith.constant 8 : i32
          %mul3A_190 = arith.muli %scan3A_187, %mul3A_189 : i32
          %add3A_191 = arith.constant 0 : i32
          %add3A_192 = arith.addi %mul3A_190, %add3A_191 : i32
          %mul3A_193 = arith.constant 16 : i32
          %mul3A_194 = arith.muli %add3A_192, %mul3A_193 : i32
          %get3A = arith.index_cast %mul3A_194 : i32 to index
          %get3A_195 = tpu.vector_load %arg7[%get3A] {strides = array<i32>} : memref<2048xi32, #tpu.memory_space<vmem>>, vector<16xi32>,
          %get3A_196 = vector.shape_cast %get3A_195 : vector<16xi32> to vector<16xi32>
          %sub3A = vector.broadcast %mul3A_26 : i32 to vector<16xi32>
          %sub3A_197 = arith.subi %get3A_196, %sub3A : vector<16xi32>
          %bitcast3A_198 = vector.bitcast %sub3A_197 : vector<16xi32> to vector<16xi32>
          %min3A = arith.minui %bitcast3A_198, %bitcast3A : vector<16xi32>
          %bitcast3A_199 = vector.bitcast %min3A : vector<16xi32> to vector<16xi32>
          %swap3A = arith.index_cast %mul3A_194 : i32 to index
          %swap3A_200 = tpu.vector_load %arg15[%swap3A] {strides = array<i32>} : memref<2048xi32, #tpu.memory_space<vmem>>, vector<16xi32>,
          %swap3A_201 = vector.shape_cast %swap3A_200 : vector<16xi32> to vector<16xi32>
          %swap3A_202 = vector.shape_cast %bitcast3A_199 : vector<16xi32> to vector<16xi32>
          tpu.vector_store %arg15[%swap3A], %swap3A_202 {strides = array<i32>} : memref<2048xi32, #tpu.memory_space<vmem>>, vector<16xi32>,
          %mul3A_203 = arith.constant 8 : i32
          %mul3A_204 = arith.muli %scan3A_187, %mul3A_203 : i32
          %add3A_205 = arith.constant 1 : i32
          %add3A_206 = arith.addi %mul3A_204, %add3A_205 : i32
          %mul3A_207 = arith.constant 16 : i32
          %mul3A_208 = arith.muli %add3A_206, %mul3A_207 : i32
          %get3A_209 = arith.index_cast %mul3A_208 : i32 to index
          %get3A_210 = tpu.vector_load %arg7[%get3A_209] {strides = array<i32>} : memref<2048xi32, #tpu.memory_space<vmem>>, vector<16xi32>,
          %get3A_211 = vector.shape_cast %get3A_210 : vector<16xi32> to vector<16xi32>
          %sub3A_212 = vector.broadcast %mul3A_26 : i32 to vector<16xi32>
          %sub3A_213 = arith.subi %get3A_211, %sub3A_212 : vector<16xi32>
          %bitcast3A_214 = vector.bitcast %sub3A_213 : vector<16xi32> to vector<16xi32>
          %min3A_215 = arith.minui %bitcast3A_214, %bitcast3A : vector<16xi32>
          %bitcast3A_216 = vector.bitcast %min3A_215 : vector<16xi32> to vector<16xi32>
          %swap3A_217 = arith.index_cast %mul3A_208 : i32 to index
          %swap3A_218 = tpu.vector_load %arg15[%swap3A_217] {strides = array<i32>} : memref<2048xi32, #tpu.memory_space<vmem>>, vector<16xi32>,
          %swap3A_219 = vector.shape_cast %swap3A_218 : vector<16xi32> to vector<16xi32>
          %swap3A_220 = vector.shape_cast %bitcast3A_216 : vector<16xi32> to vector<16xi32>
          tpu.vector_store %arg15[%swap3A_217], %swap3A_220 {strides = array<i32>} : memref<2048xi32, #tpu.memory_space<vmem>>, vector<16xi32>,
          %mul3A_221 = arith.constant 8 : i32
          %mul3A_222 = arith.muli %scan3A_187, %mul3A_221 : i32
          %add3A_223 = arith.constant 2 : i32
          %add3A_224 = arith.addi %mul3A_222, %add3A_223 : i32
          %mul3A_225 = arith.constant 16 : i32
          %mul3A_226 = arith.muli %add3A_224, %mul3A_225 : i32
          %get3A_227 = arith.index_cast %mul3A_226 : i32 to index
          %get3A_228 = tpu.vector_load %arg7[%get3A_227] {strides = array<i32>} : memref<2048xi32, #tpu.memory_space<vmem>>, vector<16xi32>,
          %get3A_229 = vector.shape_cast %get3A_228 : vector<16xi32> to vector<16xi32>
          %sub3A_230 = vector.broadcast %mul3A_26 : i32 to vector<16xi32>
          %sub3A_231 = arith.subi %get3A_229, %sub3A_230 : vector<16xi32>
          %bitcast3A_232 = vector.bitcast %sub3A_231 : vector<16xi32> to vector<16xi32>
          %min3A_233 = arith.minui %bitcast3A_232, %bitcast3A : vector<16xi32>
          %bitcast3A_234 = vector.bitcast %min3A_233 : vector<16xi32> to vector<16xi32>
          %swap3A_235 = arith.index_cast %mul3A_226 : i32 to index
          %swap3A_236 = tpu.vector_load %arg15[%swap3A_235] {strides = array<i32>} : memref<2048xi32, #tpu.memory_space<vmem>>, vector<16xi32>,
          %swap3A_237 = vector.shape_cast %swap3A_236 : vector<16xi32> to vector<16xi32>
          %swap3A_238 = vector.shape_cast %bitcast3A_234 : vector<16xi32> to vector<16xi32>
          tpu.vector_store %arg15[%swap3A_235], %swap3A_238 {strides = array<i32>} : memref<2048xi32, #tpu.memory_space<vmem>>, vector<16xi32>,
          %mul3A_239 = arith.constant 8 : i32
          %mul3A_240 = arith.muli %scan3A_187, %mul3A_239 : i32
          %add3A_241 = arith.constant 3 : i32
          %add3A_242 = arith.addi %mul3A_240, %add3A_241 : i32
          %mul3A_243 = arith.constant 16 : i32
          %mul3A_244 = arith.muli %add3A_242, %mul3A_243 : i32
          %get3A_245 = arith.index_cast %mul3A_244 : i32 to index
          %get3A_246 = tpu.vector_load %arg7[%get3A_245] {strides = array<i32>} : memref<2048xi32, #tpu.memory_space<vmem>>, vector<16xi32>,
          %get3A_247 = vector.shape_cast %get3A_246 : vector<16xi32> to vector<16xi32>
          %sub3A_248 = vector.broadcast %mul3A_26 : i32 to vector<16xi32>
          %sub3A_249 = arith.subi %get3A_247, %sub3A_248 : vector<16xi32>
          %bitcast3A_250 = vector.bitcast %sub3A_249 : vector<16xi32> to vector<16xi32>
          %min3A_251 = arith.minui %bitcast3A_250, %bitcast3A : vector<16xi32>
          %bitcast3A_252 = vector.bitcast %min3A_251 : vector<16xi32> to vector<16xi32>
          %swap3A_253 = arith.index_cast %mul3A_244 : i32 to index
          %swap3A_254 = tpu.vector_load %arg15[%swap3A_253] {strides = array<i32>} : memref<2048xi32, #tpu.memory_space<vmem>>, vector<16xi32>,
          %swap3A_255 = vector.shape_cast %swap3A_254 : vector<16xi32> to vector<16xi32>
          %swap3A_256 = vector.shape_cast %bitcast3A_252 : vector<16xi32> to vector<16xi32>
          tpu.vector_store %arg15[%swap3A_253], %swap3A_256 {strides = array<i32>} : memref<2048xi32, #tpu.memory_space<vmem>>, vector<16xi32>,
          %mul3A_257 = arith.constant 8 : i32
          %mul3A_258 = arith.muli %scan3A_187, %mul3A_257 : i32
          %add3A_259 = arith.constant 4 : i32
          %add3A_260 = arith.addi %mul3A_258, %add3A_259 : i32
          %mul3A_261 = arith.constant 16 : i32
          %mul3A_262 = arith.muli %add3A_260, %mul3A_261 : i32
          %get3A_263 = arith.index_cast %mul3A_262 : i32 to index
          %get3A_264 = tpu.vector_load %arg7[%get3A_263] {strides = array<i32>} : memref<2048xi32, #tpu.memory_space<vmem>>, vector<16xi32>,
          %get3A_265 = vector.shape_cast %get3A_264 : vector<16xi32> to vector<16xi32>
          %sub3A_266 = vector.broadcast %mul3A_26 : i32 to vector<16xi32>
          %sub3A_267 = arith.subi %get3A_265, %sub3A_266 : vector<16xi32>
          %bitcast3A_268 = vector.bitcast %sub3A_267 : vector<16xi32> to vector<16xi32>
          %min3A_269 = arith.minui %bitcast3A_268, %bitcast3A : vector<16xi32>
          %bitcast3A_270 = vector.bitcast %min3A_269 : vector<16xi32> to vector<16xi32>
          %swap3A_271 = arith.index_cast %mul3A_262 : i32 to index
          %swap3A_272 = tpu.vector_load %arg15[%swap3A_271] {strides = array<i32>} : memref<2048xi32, #tpu.memory_space<vmem>>, vector<16xi32>,
          %swap3A_273 = vector.shape_cast %swap3A_272 : vector<16xi32> to vector<16xi32>
          %swap3A_274 = vector.shape_cast %bitcast3A_270 : vector<16xi32> to vector<16xi32>
          tpu.vector_store %arg15[%swap3A_271], %swap3A_274 {strides = array<i32>} : memref<2048xi32, #tpu.memory_space<vmem>>, vector<16xi32>,
          %mul3A_275 = arith.constant 8 : i32
          %mul3A_276 = arith.muli %scan3A_187, %mul3A_275 : i32
          %add3A_277 = arith.constant 5 : i32
          %add3A_278 = arith.addi %mul3A_276, %add3A_277 : i32
          %mul3A_279 = arith.constant 16 : i32
          %mul3A_280 = arith.muli %add3A_278, %mul3A_279 : i32
          %get3A_281 = arith.index_cast %mul3A_280 : i32 to index
          %get3A_282 = tpu.vector_load %arg7[%get3A_281] {strides = array<i32>} : memref<2048xi32, #tpu.memory_space<vmem>>, vector<16xi32>,
          %get3A_283 = vector.shape_cast %get3A_282 : vector<16xi32> to vector<16xi32>
          %sub3A_284 = vector.broadcast %mul3A_26 : i32 to vector<16xi32>
          %sub3A_285 = arith.subi %get3A_283, %sub3A_284 : vector<16xi32>
          %bitcast3A_286 = vector.bitcast %sub3A_285 : vector<16xi32> to vector<16xi32>
          %min3A_287 = arith.minui %bitcast3A_286, %bitcast3A : vector<16xi32>
          %bitcast3A_288 = vector.bitcast %min3A_287 : vector<16xi32> to vector<16xi32>
          %swap3A_289 = arith.index_cast %mul3A_280 : i32 to index
          %swap3A_290 = tpu.vector_load %arg15[%swap3A_289] {strides = array<i32>} : memref<2048xi32, #tpu.memory_space<vmem>>, vector<16xi32>,
          %swap3A_291 = vector.shape_cast %swap3A_290 : vector<16xi32> to vector<16xi32>
          %swap3A_292 = vector.shape_cast %bitcast3A_288 : vector<16xi32> to vector<16xi32>
          tpu.vector_store %arg15[%swap3A_289], %swap3A_292 {strides = array<i32>} : memref<2048xi32, #tpu.memory_space<vmem>>, vector<16xi32>,
          %mul3A_293 = arith.constant 8 : i32
          %mul3A_294 = arith.muli %scan3A_187, %mul3A_293 : i32
          %add3A_295 = arith.constant 6 : i32
          %add3A_296 = arith.addi %mul3A_294, %add3A_295 : i32
          %mul3A_297 = arith.constant 16 : i32
          %mul3A_298 = arith.muli %add3A_296, %mul3A_297 : i32
          %get3A_299 = arith.index_cast %mul3A_298 : i32 to index
          %get3A_300 = tpu.vector_load %arg7[%get3A_299] {strides = array<i32>} : memref<2048xi32, #tpu.memory_space<vmem>>, vector<16xi32>,
          %get3A_301 = vector.shape_cast %get3A_300 : vector<16xi32> to vector<16xi32>
          %sub3A_302 = vector.broadcast %mul3A_26 : i32 to vector<16xi32>
          %sub3A_303 = arith.subi %get3A_301, %sub3A_302 : vector<16xi32>
          %bitcast3A_304 = vector.bitcast %sub3A_303 : vector<16xi32> to vector<16xi32>
          %min3A_305 = arith.minui %bitcast3A_304, %bitcast3A : vector<16xi32>
          %bitcast3A_306 = vector.bitcast %min3A_305 : vector<16xi32> to vector<16xi32>
          %swap3A_307 = arith.index_cast %mul3A_298 : i32 to index
          %swap3A_308 = tpu.vector_load %arg15[%swap3A_307] {strides = array<i32>} : memref<2048xi32, #tpu.memory_space<vmem>>, vector<16xi32>,
          %swap3A_309 = vector.shape_cast %swap3A_308 : vector<16xi32> to vector<16xi32>
          %swap3A_310 = vector.shape_cast %bitcast3A_306 : vector<16xi32> to vector<16xi32>
          tpu.vector_store %arg15[%swap3A_307], %swap3A_310 {strides = array<i32>} : memref<2048xi32, #tpu.memory_space<vmem>>, vector<16xi32>,
          %mul3A_311 = arith.constant 8 : i32
          %mul3A_312 = arith.muli %scan3A_187, %mul3A_311 : i32
          %add3A_313 = arith.constant 7 : i32
          %add3A_314 = arith.addi %mul3A_312, %add3A_313 : i32
          %mul3A_315 = arith.constant 16 : i32
          %mul3A_316 = arith.muli %add3A_314, %mul3A_315 : i32
          %get3A_317 = arith.index_cast %mul3A_316 : i32 to index
          %get3A_318 = tpu.vector_load %arg7[%get3A_317] {strides = array<i32>} : memref<2048xi32, #tpu.memory_space<vmem>>, vector<16xi32>,
          %get3A_319 = vector.shape_cast %get3A_318 : vector<16xi32> to vector<16xi32>
          %sub3A_320 = vector.broadcast %mul3A_26 : i32 to vector<16xi32>
          %sub3A_321 = arith.subi %get3A_319, %sub3A_320 : vector<16xi32>
          %bitcast3A_322 = vector.bitcast %sub3A_321 : vector<16xi32> to vector<16xi32>
          %min3A_323 = arith.minui %bitcast3A_322, %bitcast3A : vector<16xi32>
          %bitcast3A_324 = vector.bitcast %min3A_323 : vector<16xi32> to vector<16xi32>
          %swap3A_325 = arith.index_cast %mul3A_316 : i32 to index
          %swap3A_326 = tpu.vector_load %arg15[%swap3A_325] {strides = array<i32>} : memref<2048xi32, #tpu.memory_space<vmem>>, vector<16xi32>,
          %swap3A_327 = vector.shape_cast %swap3A_326 : vector<16xi32> to vector<16xi32>
          %swap3A_328 = vector.shape_cast %bitcast3A_324 : vector<16xi32> to vector<16xi32>
          tpu.vector_store %arg15[%swap3A_325], %swap3A_328 {strides = array<i32>} : memref<2048xi32, #tpu.memory_space<vmem>>, vector<16xi32>,
          %scan3A_329 = arith.constant 0 : i32
          scf.yield %scan3A_329 : i32
        }
        %scan3A_149 = arith.constant 16 : i32
        %dma_start3A_150 = arith.constant 0 : i32
        %dma_start3A_151 = tpu.memref_slice %arg18[%dma_start3A_150] : memref<1581056xf32, #tpu.memory_space<vmem_shared>> -> memref<1581056xf32, #tpu.memory_space<vmem_shared>>
        tpu.enqueue_indirect_dma source(%arg11 : memref<2048xf32, #tpu.memory_space<vmem>>) target(%dma_start3A_151 : memref<1581056xf32, #tpu.memory_space<vmem_shared>>) offsets(%arg15 : memref<2048xi32, #tpu.memory_space<vmem>>) semaphore(%arg29 : memref<!tpu.dma_semaphore, #tpu.memory_space<semaphore_mem>>) {add = true}
        %dma_wait3A_152 = arith.constant 0 : i32
        %dma_wait3A_153 = tpu.memref_slice %arg18[%dma_wait3A_152] : memref<1581056xf32, #tpu.memory_space<vmem_shared>> -> memref<1581056xf32, #tpu.memory_space<vmem_shared>>
        tpu.wait_indirect_dma semaphore(%arg27 : memref<!tpu.dma_semaphore, #tpu.memory_space<semaphore_mem>>) src(%arg9 : memref<2048xf32, #tpu.memory_space<vmem>>) dst(%dma_wait3A_153 : memref<1581056xf32, #tpu.memory_space<vmem_shared>>)
        %lt3A = arith.constant 191 : i32
        %lt3A_154 = arith.cmpi slt, %scan3A_62, %lt3A : i32
        %convert_element_type3A_155 = arith.extui %lt3A_154 : i1 to i32
        %cond3A_156 = arith.constant 0 : i32
        %cond3A_157 = arith.cmpi ne, %convert_element_type3A_155, %cond3A_156 : i32
        scf.if %cond3A_157 {
          %add3A_187 = arith.constant 2 : i32
          %add3A_188 = arith.addi %add3A_134, %add3A_187 : i32
          %mul3A_189 = arith.constant 2048 : i32
          %mul3A_190 = arith.muli %add3A_188, %mul3A_189 : i32
          %add3A_191 = arith.addi %mul3A_6, %mul3A_190 : i32
          %dma_start3A_192 = tpu.memref_slice %arg2[%add3A_191] : memref<25165824xi32, #tpu.memory_space<hbm>> -> memref<2048xi32, #tpu.memory_space<hbm>>
          %dma_start3A_193 = tpu.memref_slice %arg2[%add3A_191] : memref<25165824xi32, #tpu.memory_space<hbm>> -> memref<2048xi32, #tpu.memory_space<hbm>>
          tpu.enqueue_dma source(%dma_start3A_193 : memref<2048xi32, #tpu.memory_space<hbm>>) target(%arg5 : memref<2048xi32, #tpu.memory_space<vmem>>) target_semaphore(%arg19 : memref<!tpu.dma_semaphore, #tpu.memory_space<semaphore_mem>>)
          %dma_start3A_194 = tpu.memref_slice %arg3[%add3A_191] : memref<25165824xf32, #tpu.memory_space<hbm>> -> memref<2048xf32, #tpu.memory_space<hbm>>
          %dma_start3A_195 = tpu.memref_slice %arg3[%add3A_191] : memref<25165824xf32, #tpu.memory_space<hbm>> -> memref<2048xf32, #tpu.memory_space<hbm>>
          tpu.enqueue_dma source(%dma_start3A_195 : memref<2048xf32, #tpu.memory_space<hbm>>) target(%arg9 : memref<2048xf32, #tpu.memory_space<vmem>>) target_semaphore(%arg23 : memref<!tpu.dma_semaphore, #tpu.memory_space<semaphore_mem>>)
        } else {
        }
        %mul3A_158 = arith.constant 4 : i32
        %mul3A_159 = arith.muli %scan3A_62, %mul3A_158 : i32
        %add3A_160 = arith.constant 3 : i32
        %add3A_161 = arith.addi %mul3A_159, %add3A_160 : i32
        %dma_wait3A_162 = arith.constant 0 : i32
        %dma_wait3A_163 = tpu.memref_slice %arg2[%dma_wait3A_162] : memref<25165824xi32, #tpu.memory_space<hbm>> -> memref<2048xi32, #tpu.memory_space<hbm>>
        %dma_wait3A_164 = arith.constant 0 : i32
        %dma_wait3A_165 = tpu.memref_slice %arg2[%dma_wait3A_164] : memref<25165824xi32, #tpu.memory_space<hbm>> -> memref<2048xi32, #tpu.memory_space<hbm>>
        tpu.wait_dma2 semaphore(%arg22 : memref<!tpu.dma_semaphore, #tpu.memory_space<semaphore_mem>>) src(%dma_wait3A_165 : memref<2048xi32, #tpu.memory_space<hbm>>) dst(%arg8 : memref<2048xi32, #tpu.memory_space<vmem>>)
        %dma_wait3A_166 = arith.constant 0 : i32
        %dma_wait3A_167 = tpu.memref_slice %arg3[%dma_wait3A_166] : memref<25165824xf32, #tpu.memory_space<hbm>> -> memref<2048xf32, #tpu.memory_space<hbm>>
        %dma_wait3A_168 = arith.constant 0 : i32
        %dma_wait3A_169 = tpu.memref_slice %arg3[%dma_wait3A_168] : memref<25165824xf32, #tpu.memory_space<hbm>> -> memref<2048xf32, #tpu.memory_space<hbm>>
        tpu.wait_dma2 semaphore(%arg26 : memref<!tpu.dma_semaphore, #tpu.memory_space<semaphore_mem>>) src(%dma_wait3A_169 : memref<2048xf32, #tpu.memory_space<hbm>>) dst(%arg12 : memref<2048xf32, #tpu.memory_space<vmem>>)
        %scan3A_170 = arith.constant 0 : i32
        %scan3A_171 = arith.constant 0 : i32
        %scan3A_172 = arith.constant 16 : i32
        %scan3A_173 = arith.addi %scan3A_171, %scan3A_172 : i32
        %scan3A_174 = arith.constant 1 : i32
        %scan3A_175 = scf.for %scan3A_187 = %scan3A_171 to %scan3A_173 step %scan3A_174 iter_args(%scan3A_188 = %scan3A_170) -> (i32)  : i32 {
          %mul3A_189 = arith.constant 8 : i32
          %mul3A_190 = arith.muli %scan3A_187, %mul3A_189 : i32
          %add3A_191 = arith.constant 0 : i32
          %add3A_192 = arith.addi %mul3A_190, %add3A_191 : i32
          %mul3A_193 = arith.constant 16 : i32
          %mul3A_194 = arith.muli %add3A_192, %mul3A_193 : i32
          %get3A = arith.index_cast %mul3A_194 : i32 to index
          %get3A_195 = tpu.vector_load %arg8[%get3A] {strides = array<i32>} : memref<2048xi32, #tpu.memory_space<vmem>>, vector<16xi32>,
          %get3A_196 = vector.shape_cast %get3A_195 : vector<16xi32> to vector<16xi32>
          %sub3A = vector.broadcast %mul3A_26 : i32 to vector<16xi32>
          %sub3A_197 = arith.subi %get3A_196, %sub3A : vector<16xi32>
          %bitcast3A_198 = vector.bitcast %sub3A_197 : vector<16xi32> to vector<16xi32>
          %min3A = arith.minui %bitcast3A_198, %bitcast3A : vector<16xi32>
          %bitcast3A_199 = vector.bitcast %min3A : vector<16xi32> to vector<16xi32>
          %swap3A = arith.index_cast %mul3A_194 : i32 to index
          %swap3A_200 = tpu.vector_load %arg16[%swap3A] {strides = array<i32>} : memref<2048xi32, #tpu.memory_space<vmem>>, vector<16xi32>,
          %swap3A_201 = vector.shape_cast %swap3A_200 : vector<16xi32> to vector<16xi32>
          %swap3A_202 = vector.shape_cast %bitcast3A_199 : vector<16xi32> to vector<16xi32>
          tpu.vector_store %arg16[%swap3A], %swap3A_202 {strides = array<i32>} : memref<2048xi32, #tpu.memory_space<vmem>>, vector<16xi32>,
          %mul3A_203 = arith.constant 8 : i32
          %mul3A_204 = arith.muli %scan3A_187, %mul3A_203 : i32
          %add3A_205 = arith.constant 1 : i32
          %add3A_206 = arith.addi %mul3A_204, %add3A_205 : i32
          %mul3A_207 = arith.constant 16 : i32
          %mul3A_208 = arith.muli %add3A_206, %mul3A_207 : i32
          %get3A_209 = arith.index_cast %mul3A_208 : i32 to index
          %get3A_210 = tpu.vector_load %arg8[%get3A_209] {strides = array<i32>} : memref<2048xi32, #tpu.memory_space<vmem>>, vector<16xi32>,
          %get3A_211 = vector.shape_cast %get3A_210 : vector<16xi32> to vector<16xi32>
          %sub3A_212 = vector.broadcast %mul3A_26 : i32 to vector<16xi32>
          %sub3A_213 = arith.subi %get3A_211, %sub3A_212 : vector<16xi32>
          %bitcast3A_214 = vector.bitcast %sub3A_213 : vector<16xi32> to vector<16xi32>
          %min3A_215 = arith.minui %bitcast3A_214, %bitcast3A : vector<16xi32>
          %bitcast3A_216 = vector.bitcast %min3A_215 : vector<16xi32> to vector<16xi32>
          %swap3A_217 = arith.index_cast %mul3A_208 : i32 to index
          %swap3A_218 = tpu.vector_load %arg16[%swap3A_217] {strides = array<i32>} : memref<2048xi32, #tpu.memory_space<vmem>>, vector<16xi32>,
          %swap3A_219 = vector.shape_cast %swap3A_218 : vector<16xi32> to vector<16xi32>
          %swap3A_220 = vector.shape_cast %bitcast3A_216 : vector<16xi32> to vector<16xi32>
          tpu.vector_store %arg16[%swap3A_217], %swap3A_220 {strides = array<i32>} : memref<2048xi32, #tpu.memory_space<vmem>>, vector<16xi32>,
          %mul3A_221 = arith.constant 8 : i32
          %mul3A_222 = arith.muli %scan3A_187, %mul3A_221 : i32
          %add3A_223 = arith.constant 2 : i32
          %add3A_224 = arith.addi %mul3A_222, %add3A_223 : i32
          %mul3A_225 = arith.constant 16 : i32
          %mul3A_226 = arith.muli %add3A_224, %mul3A_225 : i32
          %get3A_227 = arith.index_cast %mul3A_226 : i32 to index
          %get3A_228 = tpu.vector_load %arg8[%get3A_227] {strides = array<i32>} : memref<2048xi32, #tpu.memory_space<vmem>>, vector<16xi32>,
          %get3A_229 = vector.shape_cast %get3A_228 : vector<16xi32> to vector<16xi32>
          %sub3A_230 = vector.broadcast %mul3A_26 : i32 to vector<16xi32>
          %sub3A_231 = arith.subi %get3A_229, %sub3A_230 : vector<16xi32>
          %bitcast3A_232 = vector.bitcast %sub3A_231 : vector<16xi32> to vector<16xi32>
          %min3A_233 = arith.minui %bitcast3A_232, %bitcast3A : vector<16xi32>
          %bitcast3A_234 = vector.bitcast %min3A_233 : vector<16xi32> to vector<16xi32>
          %swap3A_235 = arith.index_cast %mul3A_226 : i32 to index
          %swap3A_236 = tpu.vector_load %arg16[%swap3A_235] {strides = array<i32>} : memref<2048xi32, #tpu.memory_space<vmem>>, vector<16xi32>,
          %swap3A_237 = vector.shape_cast %swap3A_236 : vector<16xi32> to vector<16xi32>
          %swap3A_238 = vector.shape_cast %bitcast3A_234 : vector<16xi32> to vector<16xi32>
          tpu.vector_store %arg16[%swap3A_235], %swap3A_238 {strides = array<i32>} : memref<2048xi32, #tpu.memory_space<vmem>>, vector<16xi32>,
          %mul3A_239 = arith.constant 8 : i32
          %mul3A_240 = arith.muli %scan3A_187, %mul3A_239 : i32
          %add3A_241 = arith.constant 3 : i32
          %add3A_242 = arith.addi %mul3A_240, %add3A_241 : i32
          %mul3A_243 = arith.constant 16 : i32
          %mul3A_244 = arith.muli %add3A_242, %mul3A_243 : i32
          %get3A_245 = arith.index_cast %mul3A_244 : i32 to index
          %get3A_246 = tpu.vector_load %arg8[%get3A_245] {strides = array<i32>} : memref<2048xi32, #tpu.memory_space<vmem>>, vector<16xi32>,
          %get3A_247 = vector.shape_cast %get3A_246 : vector<16xi32> to vector<16xi32>
          %sub3A_248 = vector.broadcast %mul3A_26 : i32 to vector<16xi32>
          %sub3A_249 = arith.subi %get3A_247, %sub3A_248 : vector<16xi32>
          %bitcast3A_250 = vector.bitcast %sub3A_249 : vector<16xi32> to vector<16xi32>
          %min3A_251 = arith.minui %bitcast3A_250, %bitcast3A : vector<16xi32>
          %bitcast3A_252 = vector.bitcast %min3A_251 : vector<16xi32> to vector<16xi32>
          %swap3A_253 = arith.index_cast %mul3A_244 : i32 to index
          %swap3A_254 = tpu.vector_load %arg16[%swap3A_253] {strides = array<i32>} : memref<2048xi32, #tpu.memory_space<vmem>>, vector<16xi32>,
          %swap3A_255 = vector.shape_cast %swap3A_254 : vector<16xi32> to vector<16xi32>
          %swap3A_256 = vector.shape_cast %bitcast3A_252 : vector<16xi32> to vector<16xi32>
          tpu.vector_store %arg16[%swap3A_253], %swap3A_256 {strides = array<i32>} : memref<2048xi32, #tpu.memory_space<vmem>>, vector<16xi32>,
          %mul3A_257 = arith.constant 8 : i32
          %mul3A_258 = arith.muli %scan3A_187, %mul3A_257 : i32
          %add3A_259 = arith.constant 4 : i32
          %add3A_260 = arith.addi %mul3A_258, %add3A_259 : i32
          %mul3A_261 = arith.constant 16 : i32
          %mul3A_262 = arith.muli %add3A_260, %mul3A_261 : i32
          %get3A_263 = arith.index_cast %mul3A_262 : i32 to index
          %get3A_264 = tpu.vector_load %arg8[%get3A_263] {strides = array<i32>} : memref<2048xi32, #tpu.memory_space<vmem>>, vector<16xi32>,
          %get3A_265 = vector.shape_cast %get3A_264 : vector<16xi32> to vector<16xi32>
          %sub3A_266 = vector.broadcast %mul3A_26 : i32 to vector<16xi32>
          %sub3A_267 = arith.subi %get3A_265, %sub3A_266 : vector<16xi32>
          %bitcast3A_268 = vector.bitcast %sub3A_267 : vector<16xi32> to vector<16xi32>
          %min3A_269 = arith.minui %bitcast3A_268, %bitcast3A : vector<16xi32>
          %bitcast3A_270 = vector.bitcast %min3A_269 : vector<16xi32> to vector<16xi32>
          %swap3A_271 = arith.index_cast %mul3A_262 : i32 to index
          %swap3A_272 = tpu.vector_load %arg16[%swap3A_271] {strides = array<i32>} : memref<2048xi32, #tpu.memory_space<vmem>>, vector<16xi32>,
          %swap3A_273 = vector.shape_cast %swap3A_272 : vector<16xi32> to vector<16xi32>
          %swap3A_274 = vector.shape_cast %bitcast3A_270 : vector<16xi32> to vector<16xi32>
          tpu.vector_store %arg16[%swap3A_271], %swap3A_274 {strides = array<i32>} : memref<2048xi32, #tpu.memory_space<vmem>>, vector<16xi32>,
          %mul3A_275 = arith.constant 8 : i32
          %mul3A_276 = arith.muli %scan3A_187, %mul3A_275 : i32
          %add3A_277 = arith.constant 5 : i32
          %add3A_278 = arith.addi %mul3A_276, %add3A_277 : i32
          %mul3A_279 = arith.constant 16 : i32
          %mul3A_280 = arith.muli %add3A_278, %mul3A_279 : i32
          %get3A_281 = arith.index_cast %mul3A_280 : i32 to index
          %get3A_282 = tpu.vector_load %arg8[%get3A_281] {strides = array<i32>} : memref<2048xi32, #tpu.memory_space<vmem>>, vector<16xi32>,
          %get3A_283 = vector.shape_cast %get3A_282 : vector<16xi32> to vector<16xi32>
          %sub3A_284 = vector.broadcast %mul3A_26 : i32 to vector<16xi32>
          %sub3A_285 = arith.subi %get3A_283, %sub3A_284 : vector<16xi32>
          %bitcast3A_286 = vector.bitcast %sub3A_285 : vector<16xi32> to vector<16xi32>
          %min3A_287 = arith.minui %bitcast3A_286, %bitcast3A : vector<16xi32>
          %bitcast3A_288 = vector.bitcast %min3A_287 : vector<16xi32> to vector<16xi32>
          %swap3A_289 = arith.index_cast %mul3A_280 : i32 to index
          %swap3A_290 = tpu.vector_load %arg16[%swap3A_289] {strides = array<i32>} : memref<2048xi32, #tpu.memory_space<vmem>>, vector<16xi32>,
          %swap3A_291 = vector.shape_cast %swap3A_290 : vector<16xi32> to vector<16xi32>
          %swap3A_292 = vector.shape_cast %bitcast3A_288 : vector<16xi32> to vector<16xi32>
          tpu.vector_store %arg16[%swap3A_289], %swap3A_292 {strides = array<i32>} : memref<2048xi32, #tpu.memory_space<vmem>>, vector<16xi32>,
          %mul3A_293 = arith.constant 8 : i32
          %mul3A_294 = arith.muli %scan3A_187, %mul3A_293 : i32
          %add3A_295 = arith.constant 6 : i32
          %add3A_296 = arith.addi %mul3A_294, %add3A_295 : i32
          %mul3A_297 = arith.constant 16 : i32
          %mul3A_298 = arith.muli %add3A_296, %mul3A_297 : i32
          %get3A_299 = arith.index_cast %mul3A_298 : i32 to index
          %get3A_300 = tpu.vector_load %arg8[%get3A_299] {strides = array<i32>} : memref<2048xi32, #tpu.memory_space<vmem>>, vector<16xi32>,
          %get3A_301 = vector.shape_cast %get3A_300 : vector<16xi32> to vector<16xi32>
          %sub3A_302 = vector.broadcast %mul3A_26 : i32 to vector<16xi32>
          %sub3A_303 = arith.subi %get3A_301, %sub3A_302 : vector<16xi32>
          %bitcast3A_304 = vector.bitcast %sub3A_303 : vector<16xi32> to vector<16xi32>
          %min3A_305 = arith.minui %bitcast3A_304, %bitcast3A : vector<16xi32>
          %bitcast3A_306 = vector.bitcast %min3A_305 : vector<16xi32> to vector<16xi32>
          %swap3A_307 = arith.index_cast %mul3A_298 : i32 to index
          %swap3A_308 = tpu.vector_load %arg16[%swap3A_307] {strides = array<i32>} : memref<2048xi32, #tpu.memory_space<vmem>>, vector<16xi32>,
          %swap3A_309 = vector.shape_cast %swap3A_308 : vector<16xi32> to vector<16xi32>
          %swap3A_310 = vector.shape_cast %bitcast3A_306 : vector<16xi32> to vector<16xi32>
          tpu.vector_store %arg16[%swap3A_307], %swap3A_310 {strides = array<i32>} : memref<2048xi32, #tpu.memory_space<vmem>>, vector<16xi32>,
          %mul3A_311 = arith.constant 8 : i32
          %mul3A_312 = arith.muli %scan3A_187, %mul3A_311 : i32
          %add3A_313 = arith.constant 7 : i32
          %add3A_314 = arith.addi %mul3A_312, %add3A_313 : i32
          %mul3A_315 = arith.constant 16 : i32
          %mul3A_316 = arith.muli %add3A_314, %mul3A_315 : i32
          %get3A_317 = arith.index_cast %mul3A_316 : i32 to index
          %get3A_318 = tpu.vector_load %arg8[%get3A_317] {strides = array<i32>} : memref<2048xi32, #tpu.memory_space<vmem>>, vector<16xi32>,
          %get3A_319 = vector.shape_cast %get3A_318 : vector<16xi32> to vector<16xi32>
          %sub3A_320 = vector.broadcast %mul3A_26 : i32 to vector<16xi32>
          %sub3A_321 = arith.subi %get3A_319, %sub3A_320 : vector<16xi32>
          %bitcast3A_322 = vector.bitcast %sub3A_321 : vector<16xi32> to vector<16xi32>
          %min3A_323 = arith.minui %bitcast3A_322, %bitcast3A : vector<16xi32>
          %bitcast3A_324 = vector.bitcast %min3A_323 : vector<16xi32> to vector<16xi32>
          %swap3A_325 = arith.index_cast %mul3A_316 : i32 to index
          %swap3A_326 = tpu.vector_load %arg16[%swap3A_325] {strides = array<i32>} : memref<2048xi32, #tpu.memory_space<vmem>>, vector<16xi32>,
          %swap3A_327 = vector.shape_cast %swap3A_326 : vector<16xi32> to vector<16xi32>
          %swap3A_328 = vector.shape_cast %bitcast3A_324 : vector<16xi32> to vector<16xi32>
          tpu.vector_store %arg16[%swap3A_325], %swap3A_328 {strides = array<i32>} : memref<2048xi32, #tpu.memory_space<vmem>>, vector<16xi32>,
          %scan3A_329 = arith.constant 0 : i32
          scf.yield %scan3A_329 : i32
        }
        %scan3A_176 = arith.constant 16 : i32
        %dma_start3A_177 = arith.constant 0 : i32
        %dma_start3A_178 = tpu.memref_slice %arg18[%dma_start3A_177] : memref<1581056xf32, #tpu.memory_space<vmem_shared>> -> memref<1581056xf32, #tpu.memory_space<vmem_shared>>
        tpu.enqueue_indirect_dma source(%arg12 : memref<2048xf32, #tpu.memory_space<vmem>>) target(%dma_start3A_178 : memref<1581056xf32, #tpu.memory_space<vmem_shared>>) offsets(%arg16 : memref<2048xi32, #tpu.memory_space<vmem>>) semaphore(%arg30 : memref<!tpu.dma_semaphore, #tpu.memory_space<semaphore_mem>>) {add = true}
        %dma_wait3A_179 = arith.constant 0 : i32
        %dma_wait3A_180 = tpu.memref_slice %arg18[%dma_wait3A_179] : memref<1581056xf32, #tpu.memory_space<vmem_shared>> -> memref<1581056xf32, #tpu.memory_space<vmem_shared>>
        tpu.wait_indirect_dma semaphore(%arg28 : memref<!tpu.dma_semaphore, #tpu.memory_space<semaphore_mem>>) src(%arg10 : memref<2048xf32, #tpu.memory_space<vmem>>) dst(%dma_wait3A_180 : memref<1581056xf32, #tpu.memory_space<vmem_shared>>)
        %lt3A_181 = arith.constant 191 : i32
        %lt3A_182 = arith.cmpi slt, %scan3A_62, %lt3A_181 : i32
        %convert_element_type3A_183 = arith.extui %lt3A_182 : i1 to i32
        %cond3A_184 = arith.constant 0 : i32
        %cond3A_185 = arith.cmpi ne, %convert_element_type3A_183, %cond3A_184 : i32
        scf.if %cond3A_185 {
          %add3A_187 = arith.constant 2 : i32
          %add3A_188 = arith.addi %add3A_161, %add3A_187 : i32
          %mul3A_189 = arith.constant 2048 : i32
          %mul3A_190 = arith.muli %add3A_188, %mul3A_189 : i32
          %add3A_191 = arith.addi %mul3A_6, %mul3A_190 : i32
          %dma_start3A_192 = tpu.memref_slice %arg2[%add3A_191] : memref<25165824xi32, #tpu.memory_space<hbm>> -> memref<2048xi32, #tpu.memory_space<hbm>>
          %dma_start3A_193 = tpu.memref_slice %arg2[%add3A_191] : memref<25165824xi32, #tpu.memory_space<hbm>> -> memref<2048xi32, #tpu.memory_space<hbm>>
          tpu.enqueue_dma source(%dma_start3A_193 : memref<2048xi32, #tpu.memory_space<hbm>>) target(%arg6 : memref<2048xi32, #tpu.memory_space<vmem>>) target_semaphore(%arg20 : memref<!tpu.dma_semaphore, #tpu.memory_space<semaphore_mem>>)
          %dma_start3A_194 = tpu.memref_slice %arg3[%add3A_191] : memref<25165824xf32, #tpu.memory_space<hbm>> -> memref<2048xf32, #tpu.memory_space<hbm>>
          %dma_start3A_195 = tpu.memref_slice %arg3[%add3A_191] : memref<25165824xf32, #tpu.memory_space<hbm>> -> memref<2048xf32, #tpu.memory_space<hbm>>
          tpu.enqueue_dma source(%dma_start3A_195 : memref<2048xf32, #tpu.memory_space<hbm>>) target(%arg10 : memref<2048xf32, #tpu.memory_space<vmem>>) target_semaphore(%arg24 : memref<!tpu.dma_semaphore, #tpu.memory_space<semaphore_mem>>)
        } else {
        }
        %scan3A_186 = arith.constant 0 : i32
        scf.yield %scan3A_186 : i32
      }
      %scan3A_51 = arith.constant 192 : i32
      %dma_wait3A = arith.constant 0 : i32
      %dma_wait3A_52 = tpu.memref_slice %arg18[%dma_wait3A] : memref<1581056xf32, #tpu.memory_space<vmem_shared>> -> memref<1581056xf32, #tpu.memory_space<vmem_shared>>
      tpu.wait_indirect_dma semaphore(%arg29 : memref<!tpu.dma_semaphore, #tpu.memory_space<semaphore_mem>>) src(%arg11 : memref<2048xf32, #tpu.memory_space<vmem>>) dst(%dma_wait3A_52 : memref<1581056xf32, #tpu.memory_space<vmem_shared>>)
      %dma_wait3A_53 = arith.constant 0 : i32
      %dma_wait3A_54 = tpu.memref_slice %arg18[%dma_wait3A_53] : memref<1581056xf32, #tpu.memory_space<vmem_shared>> -> memref<1581056xf32, #tpu.memory_space<vmem_shared>>
      tpu.wait_indirect_dma semaphore(%arg30 : memref<!tpu.dma_semaphore, #tpu.memory_space<semaphore_mem>>) src(%arg12 : memref<2048xf32, #tpu.memory_space<vmem>>) dst(%dma_wait3A_54 : memref<1581056xf32, #tpu.memory_space<vmem_shared>>)
      %barrier3A_55 = arith.constant 0 : index
      tpu.barrier barrier_id(%barrier3A_55)
      %mul3A_56 = arith.constant 98304 : i32
      %mul3A_57 = arith.muli %arg1, %mul3A_56 : i32
      %mul3A_58 = arith.constant 98304 : i32
      %mul3A_59 = arith.muli %arg1, %mul3A_58 : i32
      %add3A_60 = arith.addi %mul3A_26, %mul3A_59 : i32
      "tpu.region"() ({
        %run_scoped3A = tpu.sem_alloc : memref<!tpu.dma_semaphore, #tpu.memory_space<semaphore_mem>>
        %dma_start3A_62 = tpu.memref_slice %arg4[%add3A_60] : memref<100663296xf32, #tpu.memory_space<hbm>> -> memref<98304xf32, #tpu.memory_space<hbm>>
        %dma_start3A_63 = tpu.memref_slice %arg18[%mul3A_57] : memref<1581056xf32, #tpu.memory_space<vmem_shared>> -> memref<98304xf32, #tpu.memory_space<vmem_shared>>
        tpu.enqueue_dma source(%dma_start3A_63 : memref<98304xf32, #tpu.memory_space<vmem_shared>>) target(%dma_start3A_62 : memref<98304xf32, #tpu.memory_space<hbm>>) target_semaphore(%run_scoped3A : memref<!tpu.dma_semaphore, #tpu.memory_space<semaphore_mem>>)
        %dma_wait3A_64 = tpu.memref_slice %arg4[%add3A_60] : memref<100663296xf32, #tpu.memory_space<hbm>> -> memref<98304xf32, #tpu.memory_space<hbm>>
        %dma_wait3A_65 = tpu.memref_slice %arg18[%mul3A_57] : memref<1581056xf32, #tpu.memory_space<vmem_shared>> -> memref<98304xf32, #tpu.memory_space<vmem_shared>>
        tpu.wait_dma2 semaphore(%run_scoped3A : memref<!tpu.dma_semaphore, #tpu.memory_space<semaphore_mem>>) src(%dma_wait3A_65 : memref<98304xf32, #tpu.memory_space<vmem_shared>>) dst(%dma_wait3A_64 : memref<98304xf32, #tpu.memory_space<hbm>>)
        tpu.yield
      }) : () -> ()
      %scan3A_61 = arith.constant 0 : i32
      scf.yield %scan3A_61 : i32
    }
    %scan3A_19 = arith.constant 32 : i32
    return
  }
}

module attributes {stable_mosaic.version = 14 : i64} {
  func.func @_decode_body(%arg0: i32, %arg1: i32, %arg2: memref<1x1x256x96xi32, #tpu.memory_space<vmem>>, %arg3: memref<1x1x256x96xi32, #tpu.memory_space<vmem>>) attributes {dimension_semantics = [#tpu.dimension_semantics<arbitrary>, #tpu.dimension_semantics<arbitrary>], iteration_bounds = array<i64: 4, 256>, scalar_prefetch = 0 : i64, scratch_operands = 0 : i64, tpu.core_type = #tpu.core_type<tc>, window_params = [{transform_indices = @transform_0, window_bounds = array<i64: 1, 1, 256, 96>}, {transform_indices = @transform_1, window_bounds = array<i64: 1, 1, 256, 96>}]} {
    %get3A = arith.constant 0 : index
    %get3A_0 = arith.constant 0 : index
    %get3A_1 = arith.constant 0 : index
    %get3A_2 = arith.constant 0 : index
    %get3A_3 = vector.load %arg2[%get3A, %get3A_0, %get3A_1, %get3A_2] : memref<1x1x256x96xi32, #tpu.memory_space<vmem>>, vector<1x1x256x96xi32>
    %shift_right_arithmetic3A = arith.constant 23 : i32
    %shift_right_arithmetic3A_4 = vector.broadcast %shift_right_arithmetic3A : i32 to vector<1x1x256x96xi32>
    %shift_right_arithmetic3A_5 = arith.shrsi %get3A_3, %shift_right_arithmetic3A_4 : vector<1x1x256x96xi32>
    %mul3A = arith.constant 11 : i32
    %mul3A_6 = vector.broadcast %mul3A : i32 to vector<1x1x256x96xi32>
    %mul3A_7 = arith.muli %shift_right_arithmetic3A_5, %mul3A_6 : vector<1x1x256x96xi32>
    %shift_right_arithmetic3A_8 = arith.constant 5 : i32
    %shift_right_arithmetic3A_9 = vector.broadcast %shift_right_arithmetic3A_8 : i32 to vector<1x1x256x96xi32>
    %shift_right_arithmetic3A_10 = arith.shrsi %mul3A_7, %shift_right_arithmetic3A_9 : vector<1x1x256x96xi32>
    %mul3A_11 = arith.constant 25165824 : i32
    %mul3A_12 = vector.broadcast %mul3A_11 : i32 to vector<1x1x256x96xi32>
    %mul3A_13 = arith.muli %shift_right_arithmetic3A_10, %mul3A_12 : vector<1x1x256x96xi32>
    %sub3A = arith.subi %get3A_3, %mul3A_13 : vector<1x1x256x96xi32>
    %mul3A_14 = arith.constant 25165824 : i32
    %mul3A_15 = arith.muli %arg0, %mul3A_14 : i32
    %add3A = vector.broadcast %mul3A_15 : i32 to vector<1x1x256x96xi32>
    %add3A_16 = arith.addi %sub3A, %add3A : vector<1x1x256x96xi32>
    %swap3A = arith.constant 0 : index
    %swap3A_17 = arith.constant 0 : index
    %swap3A_18 = arith.constant 0 : index
    %swap3A_19 = arith.constant 0 : index
    %swap3A_20 = vector.load %arg3[%swap3A, %swap3A_17, %swap3A_18, %swap3A_19] : memref<1x1x256x96xi32, #tpu.memory_space<vmem>>, vector<1x1x256x96xi32>
    tpu.vector_store %arg3[%swap3A, %swap3A_17, %swap3A_18, %swap3A_19], %add3A_16 {strides = array<i32>} : memref<1x1x256x96xi32, #tpu.memory_space<vmem>>, vector<1x1x256x96xi32>,
    return
  }
  func.func @transform_0(%arg0: i32, %arg1: i32) -> (i32, i32, i32, i32) {
    %c0_i32 = arith.constant 0 : i32
    %c0_i32_0 = arith.constant 0 : i32
    %c0_i32_1 = arith.constant 0 : i32
    return %arg0, %arg1, %c0_i32, %c0_i32_0 : i32, i32, i32, i32
  }
  func.func @transform_1(%arg0: i32, %arg1: i32) -> (i32, i32, i32, i32) {
    %c0_i32 = arith.constant 0 : i32
    %c0_i32_0 = arith.constant 0 : i32
    %c0_i32_1 = arith.constant 0 : i32
    return %arg0, %arg1, %c0_i32, %c0_i32_0 : i32, i32, i32, i32
  }
}

</mosaic_0001>

<sc_bundles>
// kernel: kernel.4.cloned.1.call-start
scs
__scs_entry_jumppad:
0x0: {  	(pc) =	sbr.rel $0x88, $3  }
0x1: {  	(tag) =	ssettag $0x0;
	lr =	simm.s32 $0x1  }
0x2: {  	[smem:$0x3F9F] =	sst lr;
	_ =	strace $0xD0000000  }
0x3: {  	_ = 	snop  }
0x4: {  	_ = 	snop  }
0x5: {  	_ = 	snop  }
0x6: {  	_ = 	snop  }
0x7: {  	_ = 	snop  }
__scs_overlays_trampoline_lowered:
0x8: {  	[smem:$0x3FAE] =	sst s0  }
0x9: {  	[smem:$0x3FAF] =	sst s1  }
0xa: {  	[smem:$0x3FB0] =	sst s2  }
0xb: {  	[smem:$0x3FB1] =	sst s3  }
0xc: {  	[smem:$0x3FB2] =	sst s4  }
0xd: {  	[smem:$0x3FB3] =	sst s5  }
0xe: {  	[smem:$0x3FB4] =	sst s6  }
0xf: {  	[smem:$0x3FB5] =	sst s7  }
0x10: {  	[smem:$0x3FB6] =	sst s8  }
0x11: {  	[smem:$0x3FB7] =	sst s9;
	s0 =	simm.s32 @!p0 $0x0  }
0x12: {  	s1 =	sld [smem:$0x3F9D];
	s0 =	simm.s32 @p0 $0x1  }
0x13: {  	[smem:$0x3FB8] =	sst s0;
	s0 =	simm.s32 @!p1 $0x0  }
0x14: {  	s2 =	sld [smem:$0x3F9C];
	s0 =	simm.s32 @p1 $0x1  }
0x15: {  	[smem:$0x3FB9] =	sst s0;
	s0 =	simm.s32 @!p2 $0x0  }
0x16: {  	s3 =	sld [smem:$0x3FDB];
	s0 =	simm.s32 @p2 $0x1  }
0x17: {  	s4 =	simm.s32 $0x1BF5;
	[smem:$0x3FBB] =	sst s0  }
0x18: {  	s0 =	sld [smem:$0x3F9E];
	_ =	swait.ge [sflag:s4], $0x0  }
0x19: {  	s7 =	sld [smem:$0x3F9F]  }
0x1a: {  	s8 =	sadd.s32 $0xFFFFE003, lr  }
0x1b: {  	s9 =	sadd.s32 $0xFFFFFEF7, lr;
	s5 =	simm.s32 $0xFFFFFFFF;
	p2 =	slt.u32 s8, $0xFFFFF086  }
0x1c: {  	p1 =	slt.u32 s9, $0xF7A;
	s5 =	simm.s32 @!p2 $0x0  }
0x1d: {  	s5 =	simm.s32 @p1 $0x1;
	p0 =	seq.s32 s7, s2  }
0x1e: {  	s7 =	smul.u32 @!p0 $0xF7A, s2;
	p2 =	seq.s32 @!p0 s5, $0x0  }
0x1f: {  	s9 =	smul.u32 $0xF7A, s1;
	s8 =	simm.s32 @!p0 $0x1BF5;
	p2 =	por !p2, p0  }
0x20: {  	[sflag:s8] =	ssyncset.s32 @!p0 $0xFFFFF086;
	s6 =	sadd.s32 @!p0 s3, s7;
	s7 =	simm.s32 @!p0 $0x108  }
0x21: {  	s3 =	sadd.s32 s3, s9;
	s6 =	sadd.s32 @!p0 $0x88, s6;
	s7 =	simm.s32 @p2 $0x1082  }
0x22: {  	[simem:s7], [sflag:s8] =	dma.local @!p0 [hbm:s6], $0xF7A  }
0x23: {  	s9 =	sor.u32 $0xD0000000, s2;
	s6 =	simm.s32 $0x108;
	_ =	swait.ge @!p0 [sflag:s8], $0x0  }
0x24: {  	s3 =	sadd.s32 $0x88, s3;
	s6 =	simm.s32 @!p1 $0x1082;
	[sflag:s4] =	ssyncset.s32 $0xFFFFF086  }
0x25: {  	[simem:s6], [sflag:s4] =	dma.local [hbm:s3], $0xF7A  }
0x26: {  	[smem:$0x3F9F] =	sst s1;
	(tag) =	ssettag s2;
	_ =	strace s9  }
0x27: {  	s1 =	sld [smem:$0x3FAF]  }
0x28: {  	s2 =	sld [smem:$0x3FB0]  }
0x29: {  	s4 =	sld [smem:$0x3FB2]  }
0x2a: {  	p0 =	seq.s32 s5, $0x0;
	s5 =	sld [smem:$0x3FB3]  }
0x2b: {  	s6 =	sld [smem:$0x3FB4]  }
0x2c: {  	s7 =	sld [smem:$0x3FB5]  }
0x2d: {  	s3 =	simm.s32 $0x108;
	s8 =	sld [smem:$0x3FB6]  }
0x2e: {  	s3 =	simm.s32 @!p0 $0x1082;
	s9 =	sld [smem:$0x3FB7]  }
0x2f: {  	lr =	sadd.s32 s0, s3;
	s0 =	sld [smem:$0x3FAE]  }
0x30: {  	s3 =	sld [smem:$0x3FB1]  }
0x31: {  	[smem:$0x3FBA] =	sst s10  }
0x32: {  	s10 =	sld [smem:$0x3FB8];
	_ =	sdelay $0x3  }
0x33: {  	p0 =	seq.s32 s10, $0x1;
	s10 =	sld [smem:$0x3FBA];
	_ =	sdelay $0x3  }
0x34: {  	[smem:$0x3FBA] =	sst s10  }
0x35: {  	s10 =	sld [smem:$0x3FB9];
	_ =	sdelay $0x3  }
0x36: {  	p1 =	seq.s32 s10, $0x1;
	s10 =	sld [smem:$0x3FBA];
	_ =	sdelay $0x3  }
0x37: {  	[smem:$0x3FBA] =	sst s10  }
0x38: {  	s10 =	sld [smem:$0x3FBB]  }
0x39: {  	_ = 	snop;
	(pc) =	sbr.ind lr, $3  }
0x3a: {  	_ = 	snop  }
0x3b: {  	_ = 	snop  }
0x3c: {  	p2 =	seq.s32 s10, $0x1;
	s10 =	sld [smem:$0x3FBA]  }
0x3d: {  	_ =	shalt  }
0x3e: {  	_ =	shalt  }
0x3f: {  	_ =	shalt  }
0x40: {  	_ =	shalt  }
0x41: {  	_ =	shalt  }
0x42: {  	_ =	shalt  }
0x43: {  	_ =	shalt  }
0x44: {  	_ =	shalt  }
0x45: {  	_ =	shalt  }
0x46: {  	_ =	shalt  }
0x47: {  	_ =	shalt  }
0x48: {  	_ =	shalt  }
0x49: {  	_ =	shalt  }
0x4a: {  	_ =	shalt  }
0x4b: {  	_ =	shalt  }
0x4c: {  	_ =	shalt  }
0x4d: {  	_ =	shalt  }
0x4e: {  	_ =	shalt  }
0x4f: {  	_ =	shalt  }
0x50: {  	_ =	shalt  }
0x51: {  	_ =	shalt  }
0x52: {  	_ =	shalt  }
0x53: {  	_ =	shalt  }
0x54: {  	_ =	shalt  }
0x55: {  	_ =	shalt  }
0x56: {  	_ =	shalt  }
0x57: {  	_ =	shalt  }
0x58: {  	_ =	shalt  }
0x59: {  	_ =	shalt  }
0x5a: {  	_ =	shalt  }
0x5b: {  	_ =	shalt  }
0x5c: {  	_ =	shalt  }
0x5d: {  	_ =	shalt  }
0x5e: {  	_ =	shalt  }
0x5f: {  	_ =	shalt  }
0x60: {  	_ =	shalt  }
0x61: {  	_ =	shalt  }
0x62: {  	_ =	shalt  }
0x63: {  	_ =	shalt  }
0x64: {  	_ =	shalt  }
0x65: {  	_ =	shalt  }
0x66: {  	_ =	shalt  }
0x67: {  	_ =	shalt  }
0x68: {  	_ =	shalt  }
0x69: {  	_ =	shalt  }
0x6a: {  	_ =	shalt  }
0x6b: {  	_ =	shalt  }
0x6c: {  	_ =	shalt  }
0x6d: {  	_ =	shalt  }
0x6e: {  	_ =	shalt  }
0x6f: {  	_ =	shalt  }
0x70: {  	_ =	shalt  }
0x71: {  	_ =	shalt  }
0x72: {  	_ =	shalt  }
0x73: {  	_ =	shalt  }
0x74: {  	_ =	shalt  }
0x75: {  	_ =	shalt  }
0x76: {  	_ =	shalt  }
0x77: {  	_ =	shalt  }
0x78: {  	_ =	shalt  }
0x79: {  	_ =	shalt  }
0x7a: {  	_ =	shalt  }
0x7b: {  	_ =	shalt  }
0x7c: {  	_ =	shalt  }
0x7d: {  	_ =	shalt  }
0x7e: {  	_ =	shalt  }
0x7f: {  	_ =	shalt  }
0x80: {  	_ =	shalt  }
0x81: {  	_ =	shalt  }
0x82: {  	_ =	shalt  }
0x83: {  	_ =	shalt  }
0x84: {  	_ =	shalt  }
0x85: {  	_ =	shalt  }
0x86: {  	_ =	shalt  }
0x87: {  	_ =	shalt  }
.Lfunc_end0:
.L_simem_size_0:
called_computation.1_lowered:
.L_overlay_start_0:
0x88: {  	s2 =	sld [smem:$0x3FD9]  }
0x89: {  	s3 =	sld [smem:$0x3FFE];
	_ =	sdelay $0x1  }
0x8a: {  	s1 =	srdreg.scid  }
0x8b: {  	s0 =	sand.u32 $0x1, s1  }
0x8c: {  	s17 =	sshll.u32 s0, $0xA;
	s2 =	sadd.s32 s3, s2  }
0x8d: {  	s2 =	sadd.s32 s2, s17  }
0x8e: {  	[smem:$0x3FC6] =	sst s2  }
0x8f: {  	_ = 	snop  }
0x90: {  	s2 =	sld [smem:$0x3FD0];
	(tm) =	ssettm $0x1  }
0x91: {  	s18 =	sld [smem:$0x3FFB];
	_ =	sdelay $0x3  }
0x92: {  	_ =	strace s18  }
0x93: {  	s3 =	sld [smem:$0x3FFC];
	_ =	sdelay $0x3  }
0x94: {  	_ =	strace s3  }
0x95: {  	s3 =	sld [smem:$0x3FFD];
	_ =	sdelay $0x3  }
0x96: {  	_ =	strace s3  }
0x97: {  	_ =	strace $0x8FFFFFFF  }
0x98: {  	s19 =	sld [smem:$0x3FDB];
	_ =	sdelay $0x1  }
0x99: {  	s4 =	simm.s32 $_scs_section_size  }
0x9a: {  	s5 =	simm.s32 $_size__tile_overlayer_lowered;
	s6 =	simm.s32 $_tile_overlayer_lowered  }
0x9b: {  	s22 =	simm.s32 $0x1BFF;
	s21 =	sshll.u32 s6, $0x1;
	s3 =	sadd.s32 s4, s19  }
0x9c: {  	s7 =	simm.s32 $0x0;
	s20 =	sshll.u32 s5, $0x1;
	s5 =	sadd.s32 s21, s3  }
0x9d: {  	[timem:s7], [sflag:s22] =	dma.local [hbm:s5], s20  }
0x9e: {  	_ =	swait.ge [sflag:s22], s20  }
0x9f: {  	s4 =	ssub.s32 $0x0, s20;
	[sflag:s22] =	ssyncset.done $0x0  }
0xa0: {  	[sflag:s22] =	ssyncadd.s32 s4;
	_ =	sdelay $0x1  }
0xa1: {  	s23 =	simm.s32 $0x1B8B  }
0xa2: {  	_ =	swait.ge [sflag:s23], $0x1  }
0xa3: {  	[sflag:s23] =	ssyncset.done $0x0  }
0xa4: {  	s25 =	simm.s32 $0x1B8E;
	s24 =	sld [smem:$0x3FFE];
	[sflag:s23] =	ssyncadd.s32 $0xFFFFFFFF  }
0xa5: {  	s26 =	simm.s32 $execute0_lowered;
	[smem:$0x3FD2] =	sst s25  }
0xa6: {  	s5 =	sshll.u32 s26, $0x1;
	_ =	strace $0x80000046;
	[dreg:$0x1] =	wrdreg $0xFFFFFFFF  }
0xa7: {  	s28 =	simm.s32 $_size_execute0_lowered;
	s3 =	sadd.s32 s3, s5;
	[dreg:$0x0] =	wrdreg $0x0  }
0xa8: {  	s5 =	sshll.u32 s28, $0x1;
	[dreg:$0x2] =	wrdreg s3  }
0xa9: {  	[dreg:$0x3] =	wrdreg s5  }
0xaa: {  	[dreg:$0x4] =	wrdreg $0xC0  }
0xab: {  	_ =	task [dreg:s7], $0x5FFFF  }
0xac: {  	[dreg:$0x1] =	wrdreg $0xFFFFFFFF  }
0xad: {  	[dreg:$0x0] =	wrdreg $0x60  }
0xae: {  	[dreg:$0x2] =	wrdreg s24  }
0xaf: {  	[dreg:$0x3] =	wrdreg s2  }
0xb0: {  	[dreg:$0x4] =	wrdreg $0x70000  }
0xb1: {  	[dreg:$0x5] =	wrdreg $0x9  }
0xb2: {  	_ =	task.clear_ibuf [dreg:s7], $0x6FFFF;
	_ =	strace $0x90000046  }
0xb3: {  	s29 =	simm.s32 $0x9;
	_ =	strace $0x80000048  }
0xb4: {  	_ =	swait.ge [sflag:s29], $0x1  }
0xb5: {  	[sflag:s29] =	ssyncadd.s32 $0xFFFFFFFF  }
0xb6: {  	_ =	strace $0x90000048  }
0xb7: {  	_ =	sfence  }
0xb8: {  	s30 =	sld [smem:$0x0];
	_ =	sdelay $0x2  }
0xb9: {  	s31 =	sshll.u32 s1, $0xD;
	s1 =	sshrl.u32 s1, $0x2  }
0xba: {  	s3 =	sand.u32 $0x4000, s31;
	s1 =	sadd.s32 s1, s30  }
0xbb: {  	s0 =	sor.u32 s3, s0;
	s1 =	sshll.u32 s1, $0x11  }
0xbc: {  	s0 =	sor.u32 s1, s0  }
0xbd: {  	s0 =	sadd.s32 $0x8F2B, s0  }
0xbe: {  	[sflag:s0] =	ssyncadd.remote.s32 $0x1  }
0xbf: {  	_ =	sfence.sel $0xFFFF  }
0xc0: {  	[dreg:$0x0] =	wrdreg $0xFFFFFFFF;
	(pc) =	sbr.abs _section_cstart, $3  }
0xc1: {  	[dreg:$0x1] =	wrdreg $0xFFFFFFFF  }
0xc2: {  	_ =	task.clear_ibuf [dreg:s7], $0x2FFFF;
	_ =	strace $0x9FFFFFFF  }
0xc3: {  	(tm) =	ssettm $0x7FFFFFFF  }
tec
execute0_lowered:
.L_overlay_start_1:
0x0: {  	(tag) =	ssettag $0x1  }
0x1: {  	s0 =	rddreg [dreg:$0x0]  }
0x2: {  	s2 =	rddreg [dreg:$0x2];
	s11 =	stileid.u32  }
0x3: {  	s4 =	simm.s32 $0x0;
	s1 =	srdreg.scid;
	s7 =	smul.u32 $0x180000, s11  }
0x4: {  	[smem:$0x7FF] =	sst s4;
	s1 =	sand.u32 $0x1, s1;
	s10 =	smul.u32 $0x60000, s11  }
0x5: {  	s5 =	sadd.s32 $0x700800, s0;
	s6 =	sadd.s32 $0x800, s0;
	s21 =	smul.u32 $0x18000, s11  }
0x6: {  	_ =	strace $0x80000047;
	s3 =	ssub.s32 $0x2, s1;
	s1 =	sshll.u32 s1, $0x5  }
0x7: {  	s8 =	sshrl.u32 s3, $0x1;
	[dreg:$0x4] =	wrdreg s1;
	s16 =	sshrl.u32 s7, $0x3  }
0x8: {  	[dreg:$0x9] =	wrdreg s21;
	s22 =	sadd.s32 s21, s2;
	s17 =	sadd.s32 s5, s16  }
0x9: {  	s13 =	ssub.s32 s3, s8;
	s3 =	sadd.s32 s6, s16;
	[dreg:$0x6] =	wrdreg s17  }
0xa: {  	s15 =	sshrl.u32 s10, $0x2;
	s29 =	sshrl.u32 s22, $0x3;
	[dreg:$0x7] =	wrdreg s3  }
0xb: {  	s8 =	sadd.s32 s15, s2;
	s19 =	sor.u32 $0x100, s16;
	[dreg:$0x11] =	wrdreg s29  }
0xc: {  	s20 =	sadd.s32 s5, s19;
	[dreg:$0x5] =	wrdreg s8  }
0xd: {  	s1 =	sadd.s32 s6, s19;
	[dreg:$0x8] =	wrdreg s20  }
0xe: {  	s0 =	smax.u32 s13, $0x1;
	[dreg:$0xa] =	wrdreg s1  }
0xf: {  	s23 =	sadd.s32 $0x1000, s8;
	[dreg:$0xb] =	wrdreg s0  }
0x10: {  	s24 =	sadd.s32 $0x2000, s8;
	[dreg:$0xc] =	wrdreg s23  }
0x11: {  	s9 =	sshll.u32 s11, $0x4;
	s25 =	sadd.s32 $0x3000, s8;
	[dreg:$0xd] =	wrdreg s24  }
0x12: {  	s14 =	sor.u32 $0x1000, s7;
	s26 =	sadd.s32 $0x4000, s8;
	[dreg:$0xe] =	wrdreg s25  }
0x13: {  	s15 =	sor.u32 $0x1800, s7;
	s28 =	sadd.s32 $0x5000, s8;
	[dreg:$0xf] =	wrdreg s26  }
0x14: {  	s16 =	sor.u32 $0x2000, s7;
	s3 =	sadd.s32 $0x7000, s8;
	[dreg:$0x10] =	wrdreg s28  }
0x15: {  	s17 =	sor.u32 $0x2800, s7;
	s7 =	sadd.s32 $0x8000, s8;
	[dreg:$0x13] =	wrdreg s3  }
0x16: {  	s18 =	sor.u32 $0x180000, s9;
	s9 =	sadd.s32 $0x9000, s8;
	[dreg:$0x14] =	wrdreg s7  }
0x17: {  	s10 =	sadd.s32 $0xA000, s8;
	[dreg:$0x15] =	wrdreg s9  }
0x18: {  	s11 =	sadd.s32 $0xB000, s8;
	[dreg:$0x16] =	wrdreg s10  }
0x19: {  	s12 =	sadd.s32 $0xC000, s8;
	[dreg:$0x17] =	wrdreg s11  }
0x1a: {  	s13 =	sadd.s32 $0xD000, s8;
	[dreg:$0x18] =	wrdreg s12  }
0x1b: {  	s30 =	simm.s32 $0x3000;
	s19 =	sadd.s32 $0xE000, s8;
	[dreg:$0x19] =	wrdreg s13  }
0x1c: {  	s31 =	simm.s32 $0x2;
	s21 =	sadd.s32 $0x10000, s8;
	[dreg:$0x1a] =	wrdreg s19  }
0x1d: {  	s22 =	sadd.s32 $0x11000, s8;
	s29 =	sadd.s32 $0x17000, s8;
	[dreg:$0x1c] =	wrdreg s21  }
0x1e: {  	s1 =	sadd.s32 $0x6000, s8;
	s20 =	sadd.s32 $0xF000, s8;
	[dreg:$0x1d] =	wrdreg s22  }
0x1f: {  	s23 =	sadd.s32 $0x12000, s8;
	s24 =	sadd.s32 $0x13000, s8;
	s25 =	sadd.s32 $0x14000, s8  }
0x20: {  	s26 =	sadd.s32 $0x15000, s8;
	s28 =	sadd.s32 $0x16000, s8;
	[smem:$0x7FD] =	sst s29  }
0x21: {  	s22 =	simm.s32 $0xD;
	s8 =	simm.s32 $0x800;
	[dreg:$0x12] =	wrdreg s1  }
0x22: {  	s0 =	simm.s32 $0x6;
	s3 =	simm.s32 $0x3800;
	[dreg:$0x1b] =	wrdreg s20  }
0x23: {  	s7 =	simm.s32 $0x3;
	s9 =	simm.s32 $0x7;
	[dreg:$0x1e] =	wrdreg s23  }
.Ltmp0:
0x24: {  	s11 =	simm.s32 $0x9;
	[dreg:$0x1f] =	wrdreg s24;
	(pc) =	sbr.rel .LBB2_1-.Ltmp0, $4  }
0x25: {  	s12 =	simm.s32 $0x4;
	s13 =	simm.s32 $0x8;
	[smem:$0x7FA] =	sst s25  }
0x26: {  	s19 =	simm.s32 $0x5800;
	s10 =	simm.s32 $0x0;
	[smem:$0x7FB] =	sst s26  }
0x27: {  	v0 =	vlaneseq.u32;
	[smem:$0x7FC] =	sst s28;
	s23 =	simm.s32 $0x2000;
	s24 =	simm.s32 $0x2800  }
0x28: {  	v1 =	vimm.f32 $0.0e+00;
	v0 =	vor.u32 s18, v0;
	s25 =	simm.s32 $0x1;
	s26 =	simm.s32 $0x5;
	s20 =	simm.s32 $0xA  }
.LBB2_16:
0x29: {  	s10 =	sld [smem:$0x7F9];
	_ =	sdelay $0x2  }
0x2a: {  	s1 =	rddreg [dreg:$0xb];
	s10 =	sadd.s32 $0x1, s10  }
0x2b: {  	p0 =	sne.s32 s10, s1  }
.Ltmp1:
0x2c: {  	_ = 	snop;
	(pc) =	sbr.rel @!p0 .LBB2_17-.Ltmp1, $1  }
0x2d: {  	_ =	sdelay $0x3  }
.LBB2_1:
0x2e: {  	[smem:$0x7F9] =	sst s10;
	s1 =	simm.s32 $0x40;
	s18 =	simm.s32 $0x0  }
.LBB2_2:
0x2f: {  	p0 =	sne.s32 s1, $0x3FC0;
	[tilespmem:s18+$0x6000] =	vst v1;
	s18 =	smov.u32 s1;
	s1 =	sadd.s32 $0x40, s1  }
.Ltmp2:
0x30: {  	(pc) =	sbr.rel @p0 .LBB2_2-.Ltmp2, $2  }
0x31: {  	_ =	sdelay $0x2  }
0x32: {  	s18 =	sshra.s32 s18, $0x2  }
.Ltmp3:
0x33: {  	(pc) =	sbr.rel .LBB2_4-.Ltmp3, $2  }
0x34: {  	_ =	sdelay $0x2  }
0x35: {  	[tilespmem:s18+$0x6000] =	vst v1;
	s21 =	simm.s32 $0x0  }
.LBB2_15:
0x36: {  	s1 =	simm.s32 $0xB  }
0x37: {  	_ =	swait.ge [sflag:s1], $0x800  }
0x38: {  	[sflag:s1] =	ssyncset.done $0x0  }
0x39: {  	s10 =	simm.s32 $0xC;
	[sflag:s1] =	ssyncadd.s32 $0xFFFFF800  }
0x3a: {  	_ =	swait.ge [sflag:s10], $0x800  }
0x3b: {  	s18 =	sld [smem:$0x7F8]  }
0x3c: {  	[sflag:s10] =	ssyncset.done $0x0  }
0x3d: {  	s29 =	rddreg [dreg:$0x9];
	[sflag:s10] =	ssyncadd.s32 $0xFFFFF800  }
0x3e: {  	s21 =	stileid.u32;
	[bflag:$0x0] =	sbarrier.arrive $0xFFFF;
	s1 =	sadd.s32 s29, s18  }
0x3f: {  	s18 =	sshll.u32 s21, $0x6;
	s21 =	rddreg [dreg:$0x1];
	s1 =	sshrl.u32 s1, $0x3  }
0x40: {  	s28 =	rddreg [dreg:$0x11];
	s18 =	sor.u32 $0x1C0D, s18;
	s1 =	sadd.s32 s21, s1  }
0x41: {  	[hbm:s1], [sflag:s18] =	dma.local [spmem:s28], $0x3000  }
0x42: {  	_ =	swait.ge [sflag:s22], $0x3000  }
0x43: {  	s29 =	sld [smem:$0x7F7];
	_ =	sdelay $0x2  }
0x44: {  	s21 =	sadd.s32 $0x1, s29  }
0x45: {  	p0 =	sne.s32 s21, $0x20  }
.Ltmp4:
0x46: {  	_ = 	snop;
	(pc) =	sbr.rel @!p0 .LBB2_16-.Ltmp4, $3  }
0x47: {  	_ =	sdelay $0x1  }
0x48: {  	[sflag:s22] =	ssyncset.done $0x0  }
0x49: {  	[sflag:s22] =	ssyncadd.s32 $0xFFFFD000  }
.LBB2_4:
0x4a: {  	s1 =	rddreg [dreg:$0x5];
	s18 =	simm.s32 $0x6000  }
0x4b: {  	[spmem:s1] =	stream.linear.scatter [tilespmem:s18], [sflag:$0xD], $0x1000, $0x38;
	[tilespmem:$0x1F200] =	vst v63  }
0x4c: {  	_ =	swait.ge [sflag:s22], $0x1000  }
0x4d: {  	[sflag:s22] =	ssyncset.done $0x0  }
0x4e: {  	s29 =	rddreg [dreg:$0xc];
	[sflag:s22] =	ssyncadd.s32 $0xFFFFF000  }
0x4f: {  	[spmem:s29] =	stream.linear.scatter [tilespmem:s18], [sflag:$0xD], $0x1000, $0x38;
	[tilespmem:$0x1F200] =	vst v63  }
0x50: {  	_ =	swait.ge [sflag:s22], $0x1000  }
0x51: {  	[sflag:s22] =	ssyncset.done $0x0  }
0x52: {  	s10 =	rddreg [dreg:$0xd];
	[sflag:s22] =	ssyncadd.s32 $0xFFFFF000  }
0x53: {  	[spmem:s10] =	stream.linear.scatter [tilespmem:s18], [sflag:$0xD], $0x1000, $0x38;
	[tilespmem:$0x1F200] =	vst v63  }
0x54: {  	_ =	swait.ge [sflag:s22], $0x1000  }
0x55: {  	[sflag:s22] =	ssyncset.done $0x0  }
0x56: {  	s28 =	rddreg [dreg:$0xe];
	[sflag:s22] =	ssyncadd.s32 $0xFFFFF000  }
0x57: {  	[spmem:s28] =	stream.linear.scatter [tilespmem:s18], [sflag:$0xD], $0x1000, $0x38;
	[tilespmem:$0x1F200] =	vst v63  }
0x58: {  	_ =	swait.ge [sflag:s22], $0x1000  }
0x59: {  	[sflag:s22] =	ssyncset.done $0x0  }
0x5a: {  	s29 =	rddreg [dreg:$0xf];
	[sflag:s22] =	ssyncadd.s32 $0xFFFFF000  }
0x5b: {  	[spmem:s29] =	stream.linear.scatter [tilespmem:s18], [sflag:$0xD], $0x1000, $0x38;
	[tilespmem:$0x1F200] =	vst v63  }
0x5c: {  	_ =	swait.ge [sflag:s22], $0x1000  }
0x5d: {  	[sflag:s22] =	ssyncset.done $0x0  }
0x5e: {  	s10 =	rddreg [dreg:$0x10];
	[sflag:s22] =	ssyncadd.s32 $0xFFFFF000  }
0x5f: {  	[spmem:s10] =	stream.linear.scatter [tilespmem:s18], [sflag:$0xD], $0x1000, $0x38;
	[tilespmem:$0x1F200] =	vst v63  }
0x60: {  	_ =	swait.ge [sflag:s22], $0x1000  }
0x61: {  	[sflag:s22] =	ssyncset.done $0x0  }
0x62: {  	s28 =	rddreg [dreg:$0x12];
	[sflag:s22] =	ssyncadd.s32 $0xFFFFF000  }
0x63: {  	[spmem:s28] =	stream.linear.scatter [tilespmem:s18], [sflag:$0xD], $0x1000, $0x38;
	[tilespmem:$0x1F200] =	vst v63  }
0x64: {  	_ =	swait.ge [sflag:s22], $0x1000  }
0x65: {  	[sflag:s22] =	ssyncset.done $0x0  }
0x66: {  	s29 =	rddreg [dreg:$0x13];
	[sflag:s22] =	ssyncadd.s32 $0xFFFFF000  }
0x67: {  	[spmem:s29] =	stream.linear.scatter [tilespmem:s18], [sflag:$0xD], $0x1000, $0x38;
	[tilespmem:$0x1F200] =	vst v63  }
0x68: {  	_ =	swait.ge [sflag:s22], $0x1000  }
0x69: {  	[sflag:s22] =	ssyncset.done $0x0  }
0x6a: {  	s10 =	rddreg [dreg:$0x14];
	[sflag:s22] =	ssyncadd.s32 $0xFFFFF000  }
0x6b: {  	[spmem:s10] =	stream.linear.scatter [tilespmem:s18], [sflag:$0xD], $0x1000, $0x38;
	[tilespmem:$0x1F200] =	vst v63  }
0x6c: {  	_ =	swait.ge [sflag:s22], $0x1000  }
0x6d: {  	[sflag:s22] =	ssyncset.done $0x0  }
0x6e: {  	s28 =	rddreg [dreg:$0x15];
	[sflag:s22] =	ssyncadd.s32 $0xFFFFF000  }
0x6f: {  	[spmem:s28] =	stream.linear.scatter [tilespmem:s18], [sflag:$0xD], $0x1000, $0x38;
	[tilespmem:$0x1F200] =	vst v63  }
0x70: {  	_ =	swait.ge [sflag:s22], $0x1000  }
0x71: {  	[sflag:s22] =	ssyncset.done $0x0  }
0x72: {  	s29 =	rddreg [dreg:$0x16];
	[sflag:s22] =	ssyncadd.s32 $0xFFFFF000  }
0x73: {  	[spmem:s29] =	stream.linear.scatter [tilespmem:s18], [sflag:$0xD], $0x1000, $0x38;
	[tilespmem:$0x1F200] =	vst v63  }
0x74: {  	_ =	swait.ge [sflag:s22], $0x1000  }
0x75: {  	[sflag:s22] =	ssyncset.done $0x0  }
0x76: {  	s10 =	rddreg [dreg:$0x17];
	[sflag:s22] =	ssyncadd.s32 $0xFFFFF000  }
0x77: {  	[spmem:s10] =	stream.linear.scatter [tilespmem:s18], [sflag:$0xD], $0x1000, $0x38;
	[tilespmem:$0x1F200] =	vst v63  }
0x78: {  	_ =	swait.ge [sflag:s22], $0x1000  }
0x79: {  	[sflag:s22] =	ssyncset.done $0x0  }
0x7a: {  	s28 =	rddreg [dreg:$0x18];
	[sflag:s22] =	ssyncadd.s32 $0xFFFFF000  }
0x7b: {  	[spmem:s28] =	stream.linear.scatter [tilespmem:s18], [sflag:$0xD], $0x1000, $0x38;
	[tilespmem:$0x1F200] =	vst v63  }
0x7c: {  	_ =	swait.ge [sflag:s22], $0x1000  }
0x7d: {  	[sflag:s22] =	ssyncset.done $0x0  }
0x7e: {  	s29 =	rddreg [dreg:$0x19];
	[sflag:s22] =	ssyncadd.s32 $0xFFFFF000  }
0x7f: {  	[spmem:s29] =	stream.linear.scatter [tilespmem:s18], [sflag:$0xD], $0x1000, $0x38;
	[tilespmem:$0x1F200] =	vst v63  }
0x80: {  	_ =	swait.ge [sflag:s22], $0x1000  }
0x81: {  	[sflag:s22] =	ssyncset.done $0x0  }
0x82: {  	s10 =	rddreg [dreg:$0x1a];
	[sflag:s22] =	ssyncadd.s32 $0xFFFFF000  }
0x83: {  	[spmem:s10] =	stream.linear.scatter [tilespmem:s18], [sflag:$0xD], $0x1000, $0x38;
	[tilespmem:$0x1F200] =	vst v63  }
0x84: {  	_ =	swait.ge [sflag:s22], $0x1000  }
0x85: {  	[sflag:s22] =	ssyncset.done $0x0  }
0x86: {  	s28 =	rddreg [dreg:$0x1b];
	[sflag:s22] =	ssyncadd.s32 $0xFFFFF000  }
0x87: {  	[spmem:s28] =	stream.linear.scatter [tilespmem:s18], [sflag:$0xD], $0x1000, $0x38;
	[tilespmem:$0x1F200] =	vst v63  }
0x88: {  	_ =	swait.ge [sflag:s22], $0x1000  }
0x89: {  	[sflag:s22] =	ssyncset.done $0x0  }
0x8a: {  	s29 =	rddreg [dreg:$0x1c];
	[sflag:s22] =	ssyncadd.s32 $0xFFFFF000  }
0x8b: {  	[spmem:s29] =	stream.linear.scatter [tilespmem:s18], [sflag:$0xD], $0x1000, $0x38;
	[tilespmem:$0x1F200] =	vst v63  }
0x8c: {  	_ =	swait.ge [sflag:s22], $0x1000  }
0x8d: {  	[sflag:s22] =	ssyncset.done $0x0  }
0x8e: {  	s10 =	rddreg [dreg:$0x1d];
	[sflag:s22] =	ssyncadd.s32 $0xFFFFF000  }
0x8f: {  	[spmem:s10] =	stream.linear.scatter [tilespmem:s18], [sflag:$0xD], $0x1000, $0x38;
	[tilespmem:$0x1F200] =	vst v63  }
0x90: {  	_ =	swait.ge [sflag:s22], $0x1000  }
0x91: {  	[sflag:s22] =	ssyncset.done $0x0  }
0x92: {  	s28 =	rddreg [dreg:$0x1e];
	[sflag:s22] =	ssyncadd.s32 $0xFFFFF000  }
0x93: {  	[spmem:s28] =	stream.linear.scatter [tilespmem:s18], [sflag:$0xD], $0x1000, $0x38;
	[tilespmem:$0x1F200] =	vst v63  }
0x94: {  	_ =	swait.ge [sflag:s22], $0x1000  }
0x95: {  	[sflag:s22] =	ssyncset.done $0x0  }
0x96: {  	s29 =	rddreg [dreg:$0x1f];
	[sflag:s22] =	ssyncadd.s32 $0xFFFFF000  }
0x97: {  	[spmem:s29] =	stream.linear.scatter [tilespmem:s18], [sflag:$0xD], $0x1000, $0x38;
	[tilespmem:$0x1F200] =	vst v63  }
0x98: {  	_ =	swait.ge [sflag:s22], $0x1000  }
0x99: {  	s10 =	sld [smem:$0x7FA]  }
0x9a: {  	[sflag:s22] =	ssyncset.done $0x0  }
0x9b: {  	[sflag:s22] =	ssyncadd.s32 $0xFFFFF000  }
0x9c: {  	[spmem:s10] =	stream.linear.scatter [tilespmem:s18], [sflag:$0xD], $0x1000, $0x38;
	[tilespmem:$0x1F200] =	vst v63  }
0x9d: {  	_ =	swait.ge [sflag:s22], $0x1000  }
0x9e: {  	s28 =	sld [smem:$0x7FB]  }
0x9f: {  	[sflag:s22] =	ssyncset.done $0x0  }
0xa0: {  	[sflag:s22] =	ssyncadd.s32 $0xFFFFF000  }
0xa1: {  	[spmem:s28] =	stream.linear.scatter [tilespmem:s18], [sflag:$0xD], $0x1000, $0x38;
	[tilespmem:$0x1F200] =	vst v63  }
0xa2: {  	_ =	swait.ge [sflag:s22], $0x1000  }
0xa3: {  	s29 =	sld [smem:$0x7FC]  }
0xa4: {  	[sflag:s22] =	ssyncset.done $0x0  }
0xa5: {  	[sflag:s22] =	ssyncadd.s32 $0xFFFFF000  }
0xa6: {  	[spmem:s29] =	stream.linear.scatter [tilespmem:s18], [sflag:$0xD], $0x1000, $0x38;
	[tilespmem:$0x1F200] =	vst v63  }
0xa7: {  	_ =	swait.ge [sflag:s22], $0x1000  }
0xa8: {  	s10 =	sld [smem:$0x7FD]  }
0xa9: {  	[sflag:s22] =	ssyncset.done $0x0  }
0xaa: {  	[sflag:s22] =	ssyncadd.s32 $0xFFFFF000  }
0xab: {  	[spmem:s10] =	stream.linear.scatter [tilespmem:s18], [sflag:$0xD], $0x1000, $0x38;
	[tilespmem:$0x1F200] =	vst v63  }
0xac: {  	_ =	swait.ge [sflag:s22], $0x1000  }
0xad: {  	[sflag:s22] =	ssyncset.done $0x0  }
0xae: {  	[sflag:s22] =	ssyncadd.s32 $0xFFFFF000  }
0xaf: {  	[bflag:$0x0] =	sbarrier.arrive $0xFFFF  }
0xb0: {  	s28 =	rddreg [dreg:$0x6]  }
0xb1: {  	s29 =	rddreg [dreg:$0x7]  }
0xb2: {  	s18 =	rddreg [dreg:$0x4]  }
0xb3: {  	s10 =	simm.s32 $0x0;
	[smem:$0x7F7] =	sst s21  }
0xb4: {  	[tilespmem:s10], [sflag:$0x1] =	stream.linear.gather [hbm4b:s28+s10], $0x800, $0x38;
	[tilespmem:$0x1F200] =	vst v63  }
0xb5: {  	s1 =	sadd.s32 s18, s21;
	s21 =	rddreg [dreg:$0x8]  }
0xb6: {  	[tilespmem:s23], [sflag:$0x5] =	stream.linear.gather [hbm4b:s29+s10], $0x800, $0x38;
	[tilespmem:$0x1F200] =	vst v63  }
0xb7: {  	s28 =	smul.u32 $0x180000, s1;
	s29 =	rddreg [dreg:$0xa]  }
0xb8: {  	[tilespmem:s8], [sflag:$0x2] =	stream.linear.gather [hbm4b:s21+s10], $0x800, $0x38;
	[tilespmem:$0x1F200] =	vst v63  }
0xb9: {  	[smem:$0x7F8] =	sst s28;
	s21 =	simm.s32 $0x0  }
0xba: {  	v2 =	vmov s28;
	[tilespmem:s24], [sflag:$0x6] =	stream.linear.gather [hbm4b:s29+s10], $0x800, $0x38;
	[tilespmem:$0x1F200] =	vst v63  }
.LBB2_5:
0xbb: {  	_ =	swait.ge [sflag:s25], $0x800  }
0xbc: {  	[sflag:s25] =	ssyncset.done $0x0  }
0xbd: {  	[sflag:s25] =	ssyncadd.s32 $0xFFFFF800  }
0xbe: {  	_ =	swait.ge [sflag:s26], $0x800  }
0xbf: {  	[sflag:s26] =	ssyncset.done $0x0  }
0xc0: {  	s29 =	simm.s32 $0x0;
	[sflag:s26] =	ssyncadd.s32 $0xFFFFF800  }
0xc1: {  	v3 =	vld [tilespmem:s29+$0x70]  }
0xc2: {  	v5 =	vld [tilespmem:s29+$0x0]  }
0xc3: {  	v9 =	vld [tilespmem:s29+$0x10]  }
0xc4: {  	v7 =	vld [tilespmem:s29+$0x20]  }
0xc5: {  	v6 =	vld [tilespmem:s29+$0x30]  }
0xc6: {  	v4 =	vld [tilespmem:s29+$0x40];
	v8 =	vsub.s32 v3, v2  }
0xc7: {  	v3 =	vld [tilespmem:s29+$0x50];
	v10 =	vsub.s32 v5, v2;
	v11 =	vmin.u32 v8, v0  }
0xc8: {  	s28 =	simm.s32 $0x80;
	s18 =	simm.s32 $0x400;
	v5 =	vld [tilespmem:s29+$0x60];
	v9 =	vsub.s32 v9, v2;
	v8 =	vmin.u32 v10, v0;
	[tilespmem:s29+$0x4070] =	vst v11  }
.LBB2_6:
0xc9: {  	p0 =	sne.s32 s18, $0x1E00;
	v10 =	vld [tilespmem:s28+$0x70];
	[tilespmem:s29+$0x4000] =	vst v8;
	v8 =	vmin.u32 v9, v0;
	v7 =	vsub.s32 v7, v2  }
0xca: {  	v9 =	vld [tilespmem:s28+$0x0];
	[tilespmem:s29+$0x4010] =	vst v8;
	v7 =	vmin.u32 v7, v0;
	v6 =	vsub.s32 v6, v2  }
0xcb: {  	v11 =	vld [tilespmem:s28+$0x10];
	[tilespmem:s29+$0x4020] =	vst v7;
	v6 =	vmin.u32 v6, v0;
	v4 =	vsub.s32 v4, v2  }
.Ltmp5:
0xcc: {  	v7 =	vld [tilespmem:s28+$0x20];
	[tilespmem:s29+$0x4030] =	vst v6;
	v4 =	vmin.u32 v4, v0;
	v3 =	vsub.s32 v3, v2;
	(pc) =	sbr.rel @p0 .LBB2_6-.Ltmp5, $4  }
0xcd: {  	v6 =	vld [tilespmem:s28+$0x30];
	[tilespmem:s29+$0x4040] =	vst v4;
	v3 =	vmin.u32 v3, v0;
	v5 =	vsub.s32 v5, v2  }
0xce: {  	v4 =	vld [tilespmem:s28+$0x40];
	v8 =	vsub.s32 v10, v2;
	[tilespmem:s29+$0x4050] =	vst v3;
	v5 =	vmin.u32 v5, v0  }
0xcf: {  	v9 =	vsub.s32 v9, v2;
	v3 =	vld [tilespmem:s28+$0x50];
	v10 =	vmin.u32 v8, v0;
	[tilespmem:s29+$0x4060] =	vst v5;
	s29 =	smov.u32 s28  }
0xd0: {  	s28 =	sshra.s32 s18, $0x2;
	s18 =	sadd.s32 $0x200, s18;
	v8 =	vmin.u32 v9, v0;
	v9 =	vsub.s32 v11, v2;
	v5 =	vld [tilespmem:s29+$0x60];
	[tilespmem:s29+$0x4070] =	vst v10  }
0xd1: {  	v10 =	vld [tilespmem:s28+$0x70];
	[tilespmem:s29+$0x4000] =	vst v8;
	v8 =	vmin.u32 v9, v0;
	v7 =	vsub.s32 v7, v2  }
0xd2: {  	v9 =	vld [tilespmem:s28+$0x0];
	[tilespmem:s29+$0x4010] =	vst v8;
	v7 =	vmin.u32 v7, v0;
	v6 =	vsub.s32 v6, v2  }
0xd3: {  	v8 =	vld [tilespmem:s28+$0x10];
	[tilespmem:s29+$0x4020] =	vst v7;
	v6 =	vmin.u32 v6, v0;
	v4 =	vsub.s32 v4, v2  }
0xd4: {  	v7 =	vld [tilespmem:s28+$0x20];
	[tilespmem:s29+$0x4030] =	vst v6;
	v4 =	vmin.u32 v4, v0;
	v3 =	vsub.s32 v3, v2  }
0xd5: {  	v6 =	vld [tilespmem:s28+$0x30];
	[tilespmem:s29+$0x4040] =	vst v4;
	v3 =	vmin.u32 v3, v0;
	v5 =	vsub.s32 v5, v2  }
0xd6: {  	v4 =	vld [tilespmem:s28+$0x40];
	[tilespmem:s29+$0x4050] =	vst v3;
	v3 =	vmin.u32 v5, v0;
	v10 =	vsub.s32 v10, v2  }
0xd7: {  	v5 =	vld [tilespmem:s28+$0x50];
	[tilespmem:s29+$0x4060] =	vst v3;
	v3 =	vsub.s32 v9, v2;
	v9 =	vmin.u32 v10, v0  }
0xd8: {  	v10 =	vld [tilespmem:s28+$0x60];
	v3 =	vmin.u32 v3, v0;
	v8 =	vsub.s32 v8, v2;
	[tilespmem:s28+$0x4070] =	vst v9  }
0xd9: {  	[tilespmem:s28+$0x4000] =	vst v3;
	v3 =	vmin.u32 v8, v0;
	v7 =	vsub.s32 v7, v2  }
0xda: {  	[tilespmem:s28+$0x4010] =	vst v3;
	v3 =	vmin.u32 v7, v0;
	v6 =	vsub.s32 v6, v2  }
0xdb: {  	[tilespmem:s28+$0x4020] =	vst v3;
	v3 =	vmin.u32 v6, v0;
	v4 =	vsub.s32 v4, v2  }
0xdc: {  	[tilespmem:s28+$0x4030] =	vst v3;
	v3 =	vmin.u32 v4, v0;
	v4 =	vsub.s32 v5, v2  }
0xdd: {  	[tilespmem:s28+$0x4040] =	vst v3;
	v3 =	vmin.u32 v4, v0;
	v4 =	vsub.s32 v10, v2  }
0xde: {  	[tilespmem:s28+$0x4050] =	vst v3;
	v3 =	vmin.u32 v4, v0  }
0xdf: {  	s1 =	simm.s32 $0x4000;
	p0 =	seq.s32 s21, $0x0;
	[tilespmem:s28+$0x4060] =	vst v3  }
0xe0: {  	[spmem:s2] =	stream.indirect.scatter.add.f32 [tilespmem:s23], [sflag:$0x9], $0x1, s1, s8, $0xb8;
	[tilespmem:$0x1F200] =	vst v63  }
0xe1: {  	s28 =	sshll.u32 s21, $0xD;
	s1 =	simm.s32 @!p0 $0xB  }
0xe2: {  	s18 =	sadd.s32 s28, s14;
	_ =	swait.ge @!p0 [sflag:s1], $0x800  }
0xe3: {  	s10 =	simm.s32 $0x1000;
	s18 =	sshrl.u32 s18, $0x3;
	[sflag:s1] =	ssyncset.done @!p0 $0x0  }
0xe4: {  	s29 =	simm.s32 $0x0;
	[sflag:s1] =	ssyncadd.s32 @!p0 $0xFFFFF800;
	s1 =	sadd.s32 s5, s18  }
0xe5: {  	[tilespmem:s10], [sflag:$0x3] =	stream.linear.gather [hbm4b:s1+s29], $0x800, $0x38;
	[tilespmem:$0x1F200] =	vst v63  }
0xe6: {  	s18 =	sadd.s32 s6, s18  }
0xe7: {  	[tilespmem:s30], [sflag:$0x7] =	stream.linear.gather [hbm4b:s18+s29], $0x800, $0x38;
	[tilespmem:$0x1F200] =	vst v63  }
0xe8: {  	_ =	swait.ge [sflag:s31], $0x800  }
0xe9: {  	[sflag:s31] =	ssyncset.done $0x0  }
0xea: {  	[sflag:s31] =	ssyncadd.s32 $0xFFFFF800  }
0xeb: {  	_ =	swait.ge [sflag:s0], $0x800  }
0xec: {  	[sflag:s0] =	ssyncset.done $0x0  }
0xed: {  	s18 =	simm.s32 $0x0;
	[sflag:s0] =	ssyncadd.s32 $0xFFFFF800  }
0xee: {  	v3 =	vld [tilespmem:s18+$0x870]  }
0xef: {  	v5 =	vld [tilespmem:s18+$0x800]  }
0xf0: {  	v9 =	vld [tilespmem:s18+$0x810]  }
0xf1: {  	v7 =	vld [tilespmem:s18+$0x820]  }
0xf2: {  	v6 =	vld [tilespmem:s18+$0x830]  }
0xf3: {  	v4 =	vld [tilespmem:s18+$0x840];
	v8 =	vsub.s32 v3, v2  }
0xf4: {  	v3 =	vld [tilespmem:s18+$0x850];
	v10 =	vsub.s32 v5, v2;
	v11 =	vmin.u32 v8, v0  }
0xf5: {  	s1 =	simm.s32 $0x400;
	s29 =	simm.s32 $0x80;
	v5 =	vld [tilespmem:s18+$0x860];
	v9 =	vsub.s32 v9, v2;
	v8 =	vmin.u32 v10, v0;
	[tilespmem:s18+$0x4870] =	vst v11  }
.LBB2_8:
0xf6: {  	p1 =	sne.s32 s1, $0x1E00;
	v10 =	vld [tilespmem:s29+$0x870];
	[tilespmem:s18+$0x4800] =	vst v8;
	v8 =	vmin.u32 v9, v0;
	v7 =	vsub.s32 v7, v2  }
0xf7: {  	v9 =	vld [tilespmem:s29+$0x800];
	[tilespmem:s18+$0x4810] =	vst v8;
	v7 =	vmin.u32 v7, v0;
	v6 =	vsub.s32 v6, v2  }
0xf8: {  	v11 =	vld [tilespmem:s29+$0x810];
	[tilespmem:s18+$0x4820] =	vst v7;
	v6 =	vmin.u32 v6, v0;
	v4 =	vsub.s32 v4, v2  }
.Ltmp6:
0xf9: {  	v7 =	vld [tilespmem:s29+$0x820];
	[tilespmem:s18+$0x4830] =	vst v6;
	v4 =	vmin.u32 v4, v0;
	v3 =	vsub.s32 v3, v2;
	(pc) =	sbr.rel @p1 .LBB2_8-.Ltmp6, $4  }
0xfa: {  	v6 =	vld [tilespmem:s29+$0x830];
	[tilespmem:s18+$0x4840] =	vst v4;
	v3 =	vmin.u32 v3, v0;
	v5 =	vsub.s32 v5, v2  }
0xfb: {  	v4 =	vld [tilespmem:s29+$0x840];
	v8 =	vsub.s32 v10, v2;
	[tilespmem:s18+$0x4850] =	vst v3;
	v5 =	vmin.u32 v5, v0  }
0xfc: {  	v9 =	vsub.s32 v9, v2;
	v3 =	vld [tilespmem:s29+$0x850];
	v10 =	vmin.u32 v8, v0;
	[tilespmem:s18+$0x4860] =	vst v5;
	s18 =	smov.u32 s29  }
0xfd: {  	s29 =	sshra.s32 s1, $0x2;
	s1 =	sadd.s32 $0x200, s1;
	v8 =	vmin.u32 v9, v0;
	v9 =	vsub.s32 v11, v2;
	v5 =	vld [tilespmem:s18+$0x860];
	[tilespmem:s18+$0x4870] =	vst v10  }
0xfe: {  	v10 =	vld [tilespmem:s29+$0x870];
	[tilespmem:s18+$0x4800] =	vst v8;
	v8 =	vmin.u32 v9, v0;
	v7 =	vsub.s32 v7, v2  }
0xff: {  	v9 =	vld [tilespmem:s29+$0x800];
	[tilespmem:s18+$0x4810] =	vst v8;
	v7 =	vmin.u32 v7, v0;
	v6 =	vsub.s32 v6, v2  }
0x100: {  	v8 =	vld [tilespmem:s29+$0x810];
	[tilespmem:s18+$0x4820] =	vst v7;
	v6 =	vmin.u32 v6, v0;
	v4 =	vsub.s32 v4, v2  }
0x101: {  	v7 =	vld [tilespmem:s29+$0x820];
	[tilespmem:s18+$0x4830] =	vst v6;
	v4 =	vmin.u32 v4, v0;
	v3 =	vsub.s32 v3, v2  }
0x102: {  	v6 =	vld [tilespmem:s29+$0x830];
	[tilespmem:s18+$0x4840] =	vst v4;
	v3 =	vmin.u32 v3, v0;
	v5 =	vsub.s32 v5, v2  }
0x103: {  	v4 =	vld [tilespmem:s29+$0x840];
	[tilespmem:s18+$0x4850] =	vst v3;
	v3 =	vmin.u32 v5, v0;
	v10 =	vsub.s32 v10, v2  }
0x104: {  	v5 =	vld [tilespmem:s29+$0x850];
	[tilespmem:s18+$0x4860] =	vst v3;
	v3 =	vsub.s32 v9, v2;
	v9 =	vmin.u32 v10, v0  }
0x105: {  	v10 =	vld [tilespmem:s29+$0x860];
	v3 =	vmin.u32 v3, v0;
	v8 =	vsub.s32 v8, v2;
	[tilespmem:s29+$0x4870] =	vst v9  }
0x106: {  	[tilespmem:s29+$0x4800] =	vst v3;
	v3 =	vmin.u32 v8, v0;
	v7 =	vsub.s32 v7, v2  }
0x107: {  	[tilespmem:s29+$0x4810] =	vst v3;
	v3 =	vmin.u32 v7, v0;
	v6 =	vsub.s32 v6, v2  }
0x108: {  	[tilespmem:s29+$0x4820] =	vst v3;
	v3 =	vmin.u32 v6, v0;
	v4 =	vsub.s32 v4, v2  }
0x109: {  	[tilespmem:s29+$0x4830] =	vst v3;
	v3 =	vmin.u32 v4, v0;
	v4 =	vsub.s32 v5, v2  }
0x10a: {  	[tilespmem:s29+$0x4840] =	vst v3;
	v3 =	vmin.u32 v4, v0;
	v4 =	vsub.s32 v10, v2  }
0x10b: {  	[tilespmem:s29+$0x4850] =	vst v3;
	v3 =	vmin.u32 v4, v0  }
0x10c: {  	s1 =	simm.s32 $0x4800;
	[tilespmem:s29+$0x4860] =	vst v3  }
0x10d: {  	[spmem:s2] =	stream.indirect.scatter.add.f32 [tilespmem:s24], [sflag:$0xA], $0x1, s1, s8, $0xb8;
	[tilespmem:$0x1F200] =	vst v63  }
0x10e: {  	s1 =	simm.s32 @!p0 $0xC  }
0x10f: {  	s10 =	sadd.s32 s28, s15;
	_ =	swait.ge @!p0 [sflag:s1], $0x800  }
0x110: {  	s18 =	sshrl.u32 s10, $0x3;
	s10 =	simm.s32 $0x1800;
	[sflag:s1] =	ssyncset.done @!p0 $0x0  }
0x111: {  	s29 =	simm.s32 $0x0;
	[sflag:s1] =	ssyncadd.s32 @!p0 $0xFFFFF800;
	s1 =	sadd.s32 s5, s18  }
0x112: {  	[tilespmem:s10], [sflag:$0x4] =	stream.linear.gather [hbm4b:s1+s29], $0x800, $0x38;
	[tilespmem:$0x1F200] =	vst v63  }
0x113: {  	s18 =	sadd.s32 s6, s18  }
0x114: {  	[tilespmem:s3], [sflag:$0x8] =	stream.linear.gather [hbm4b:s18+s29], $0x800, $0x38;
	[tilespmem:$0x1F200] =	vst v63  }
0x115: {  	_ =	swait.ge [sflag:s7], $0x800  }
0x116: {  	[sflag:s7] =	ssyncset.done $0x0  }
0x117: {  	[sflag:s7] =	ssyncadd.s32 $0xFFFFF800  }
0x118: {  	_ =	swait.ge [sflag:s9], $0x800  }
0x119: {  	[sflag:s9] =	ssyncset.done $0x0  }
0x11a: {  	s18 =	simm.s32 $0x0;
	[sflag:s9] =	ssyncadd.s32 $0xFFFFF800  }
0x11b: {  	v3 =	vld [tilespmem:s18+$0x1070]  }
0x11c: {  	v5 =	vld [tilespmem:s18+$0x1000]  }
0x11d: {  	v9 =	vld [tilespmem:s18+$0x1010]  }
0x11e: {  	v7 =	vld [tilespmem:s18+$0x1020]  }
0x11f: {  	v6 =	vld [tilespmem:s18+$0x1030]  }
0x120: {  	v4 =	vld [tilespmem:s18+$0x1040];
	v8 =	vsub.s32 v3, v2  }
0x121: {  	v3 =	vld [tilespmem:s18+$0x1050];
	v10 =	vsub.s32 v5, v2;
	v11 =	vmin.u32 v8, v0  }
0x122: {  	s1 =	simm.s32 $0x400;
	s29 =	simm.s32 $0x80;
	v5 =	vld [tilespmem:s18+$0x1060];
	v9 =	vsub.s32 v9, v2;
	v8 =	vmin.u32 v10, v0;
	[tilespmem:s18+$0x5070] =	vst v11  }
.LBB2_10:
0x123: {  	p0 =	sne.s32 s1, $0x1E00;
	v10 =	vld [tilespmem:s29+$0x1070];
	[tilespmem:s18+$0x5000] =	vst v8;
	v8 =	vmin.u32 v9, v0;
	v7 =	vsub.s32 v7, v2  }
0x124: {  	v9 =	vld [tilespmem:s29+$0x1000];
	[tilespmem:s18+$0x5010] =	vst v8;
	v7 =	vmin.u32 v7, v0;
	v6 =	vsub.s32 v6, v2  }
0x125: {  	v11 =	vld [tilespmem:s29+$0x1010];
	[tilespmem:s18+$0x5020] =	vst v7;
	v6 =	vmin.u32 v6, v0;
	v4 =	vsub.s32 v4, v2  }
.Ltmp7:
0x126: {  	v7 =	vld [tilespmem:s29+$0x1020];
	[tilespmem:s18+$0x5030] =	vst v6;
	v4 =	vmin.u32 v4, v0;
	v3 =	vsub.s32 v3, v2;
	(pc) =	sbr.rel @p0 .LBB2_10-.Ltmp7, $4  }
0x127: {  	v6 =	vld [tilespmem:s29+$0x1030];
	[tilespmem:s18+$0x5040] =	vst v4;
	v3 =	vmin.u32 v3, v0;
	v5 =	vsub.s32 v5, v2  }
0x128: {  	v4 =	vld [tilespmem:s29+$0x1040];
	v8 =	vsub.s32 v10, v2;
	[tilespmem:s18+$0x5050] =	vst v3;
	v5 =	vmin.u32 v5, v0  }
0x129: {  	v9 =	vsub.s32 v9, v2;
	v3 =	vld [tilespmem:s29+$0x1050];
	v10 =	vmin.u32 v8, v0;
	[tilespmem:s18+$0x5060] =	vst v5;
	s18 =	smov.u32 s29  }
0x12a: {  	s29 =	sshra.s32 s1, $0x2;
	s1 =	sadd.s32 $0x200, s1;
	v8 =	vmin.u32 v9, v0;
	v9 =	vsub.s32 v11, v2;
	v5 =	vld [tilespmem:s18+$0x1060];
	[tilespmem:s18+$0x5070] =	vst v10  }
0x12b: {  	v10 =	vld [tilespmem:s29+$0x1070];
	[tilespmem:s18+$0x5000] =	vst v8;
	v8 =	vmin.u32 v9, v0;
	v7 =	vsub.s32 v7, v2  }
0x12c: {  	v9 =	vld [tilespmem:s29+$0x1000];
	[tilespmem:s18+$0x5010] =	vst v8;
	v7 =	vmin.u32 v7, v0;
	v6 =	vsub.s32 v6, v2  }
0x12d: {  	v8 =	vld [tilespmem:s29+$0x1010];
	[tilespmem:s18+$0x5020] =	vst v7;
	v6 =	vmin.u32 v6, v0;
	v4 =	vsub.s32 v4, v2  }
0x12e: {  	v7 =	vld [tilespmem:s29+$0x1020];
	[tilespmem:s18+$0x5030] =	vst v6;
	v4 =	vmin.u32 v4, v0;
	v3 =	vsub.s32 v3, v2  }
0x12f: {  	v6 =	vld [tilespmem:s29+$0x1030];
	[tilespmem:s18+$0x5040] =	vst v4;
	v3 =	vmin.u32 v3, v0;
	v5 =	vsub.s32 v5, v2  }
0x130: {  	v4 =	vld [tilespmem:s29+$0x1040];
	[tilespmem:s18+$0x5050] =	vst v3;
	v3 =	vmin.u32 v5, v0;
	v10 =	vsub.s32 v10, v2  }
0x131: {  	v5 =	vld [tilespmem:s29+$0x1050];
	[tilespmem:s18+$0x5060] =	vst v3;
	v3 =	vsub.s32 v9, v2;
	v9 =	vmin.u32 v10, v0  }
0x132: {  	v10 =	vld [tilespmem:s29+$0x1060];
	v3 =	vmin.u32 v3, v0;
	v8 =	vsub.s32 v8, v2;
	[tilespmem:s29+$0x5070] =	vst v9  }
0x133: {  	[tilespmem:s29+$0x5000] =	vst v3;
	v3 =	vmin.u32 v8, v0;
	v7 =	vsub.s32 v7, v2  }
0x134: {  	[tilespmem:s29+$0x5010] =	vst v3;
	v3 =	vmin.u32 v7, v0;
	v6 =	vsub.s32 v6, v2  }
0x135: {  	[tilespmem:s29+$0x5020] =	vst v3;
	v3 =	vmin.u32 v6, v0;
	v4 =	vsub.s32 v4, v2  }
0x136: {  	[tilespmem:s29+$0x5030] =	vst v3;
	v3 =	vmin.u32 v4, v0;
	v4 =	vsub.s32 v5, v2  }
0x137: {  	[tilespmem:s29+$0x5040] =	vst v3;
	v3 =	vmin.u32 v4, v0;
	v4 =	vsub.s32 v10, v2  }
0x138: {  	[tilespmem:s29+$0x5050] =	vst v3;
	v3 =	vmin.u32 v4, v0  }
0x139: {  	s1 =	simm.s32 $0x5000;
	p0 =	seq.s32 s21, $0xBF;
	[tilespmem:s29+$0x5060] =	vst v3  }
0x13a: {  	[spmem:s2] =	stream.indirect.scatter.add.f32 [tilespmem:s30], [sflag:$0xB], $0x1, s1, s8, $0xb8;
	[tilespmem:$0x1F200] =	vst v63  }
0x13b: {  	s1 =	sadd.s32 @!p0 s28, s16;
	_ =	swait.ge [sflag:s11], $0x800  }
0x13c: {  	s1 =	sshrl.u32 @!p0 s1, $0x3;
	[sflag:s11] =	ssyncset.done $0x0  }
0x13d: {  	s29 =	simm.s32 @!p0 $0x0;
	s18 =	sadd.s32 @!p0 s5, s1;
	[sflag:s11] =	ssyncadd.s32 $0xFFFFF800  }
0x13e: {  	[tilespmem:s29], [sflag:$0x1] =	stream.linear.gather @!p0 [hbm4b:s18+s29], $0x800, $0x38;
	[tilespmem:$0x1F200] =	vst v63  }
0x13f: {  	s1 =	sadd.s32 @!p0 s6, s1;
	s18 =	simm.s32 @!p0 $0x2000  }
0x140: {  	[tilespmem:s18], [sflag:$0x5] =	stream.linear.gather @!p0 [hbm4b:s1+s29], $0x800, $0x38;
	[tilespmem:$0x1F200] =	vst v63  }
0x141: {  	_ =	swait.ge [sflag:s12], $0x800  }
0x142: {  	[sflag:s12] =	ssyncset.done $0x0  }
0x143: {  	[sflag:s12] =	ssyncadd.s32 $0xFFFFF800  }
0x144: {  	_ =	swait.ge [sflag:s13], $0x800  }
0x145: {  	[sflag:s13] =	ssyncset.done $0x0  }
0x146: {  	s18 =	simm.s32 $0x0;
	[sflag:s13] =	ssyncadd.s32 $0xFFFFF800  }
0x147: {  	v3 =	vld [tilespmem:s18+$0x1870]  }
0x148: {  	v5 =	vld [tilespmem:s18+$0x1800]  }
0x149: {  	v9 =	vld [tilespmem:s18+$0x1810]  }
0x14a: {  	v7 =	vld [tilespmem:s18+$0x1820]  }
0x14b: {  	v6 =	vld [tilespmem:s18+$0x1830]  }
0x14c: {  	v4 =	vld [tilespmem:s18+$0x1840];
	v8 =	vsub.s32 v3, v2  }
0x14d: {  	v3 =	vld [tilespmem:s18+$0x1850];
	v10 =	vsub.s32 v5, v2;
	v11 =	vmin.u32 v8, v0  }
0x14e: {  	s29 =	simm.s32 $0x80;
	s1 =	simm.s32 $0x400;
	v5 =	vld [tilespmem:s18+$0x1860];
	v9 =	vsub.s32 v9, v2;
	v8 =	vmin.u32 v10, v0;
	[tilespmem:s18+$0x5870] =	vst v11  }
.LBB2_12:
0x14f: {  	p1 =	sne.s32 s1, $0x1E00;
	v10 =	vld [tilespmem:s29+$0x1870];
	[tilespmem:s18+$0x5800] =	vst v8;
	v8 =	vmin.u32 v9, v0;
	v7 =	vsub.s32 v7, v2  }
0x150: {  	v9 =	vld [tilespmem:s29+$0x1800];
	[tilespmem:s18+$0x5810] =	vst v8;
	v7 =	vmin.u32 v7, v0;
	v6 =	vsub.s32 v6, v2  }
0x151: {  	v11 =	vld [tilespmem:s29+$0x1810];
	[tilespmem:s18+$0x5820] =	vst v7;
	v6 =	vmin.u32 v6, v0;
	v4 =	vsub.s32 v4, v2  }
.Ltmp8:
0x152: {  	v7 =	vld [tilespmem:s29+$0x1820];
	[tilespmem:s18+$0x5830] =	vst v6;
	v4 =	vmin.u32 v4, v0;
	v3 =	vsub.s32 v3, v2;
	(pc) =	sbr.rel @p1 .LBB2_12-.Ltmp8, $4  }
0x153: {  	v6 =	vld [tilespmem:s29+$0x1830];
	[tilespmem:s18+$0x5840] =	vst v4;
	v3 =	vmin.u32 v3, v0;
	v5 =	vsub.s32 v5, v2  }
0x154: {  	v4 =	vld [tilespmem:s29+$0x1840];
	v8 =	vsub.s32 v10, v2;
	[tilespmem:s18+$0x5850] =	vst v3;
	v5 =	vmin.u32 v5, v0  }
0x155: {  	v9 =	vsub.s32 v9, v2;
	v3 =	vld [tilespmem:s29+$0x1850];
	v10 =	vmin.u32 v8, v0;
	[tilespmem:s18+$0x5860] =	vst v5;
	s18 =	smov.u32 s29  }
0x156: {  	s29 =	sshra.s32 s1, $0x2;
	s1 =	sadd.s32 $0x200, s1;
	v8 =	vmin.u32 v9, v0;
	v9 =	vsub.s32 v11, v2;
	v5 =	vld [tilespmem:s18+$0x1860];
	[tilespmem:s18+$0x5870] =	vst v10  }
0x157: {  	v10 =	vld [tilespmem:s29+$0x1870];
	[tilespmem:s18+$0x5800] =	vst v8;
	v57 =	vmin.u32 v9, v0;
	v7 =	vsub.s32 v7, v2  }
0x158: {  	v58 =	vld [tilespmem:s29+$0x1800];
	[tilespmem:s18+$0x5810] =	vst v57;
	v7 =	vmin.u32 v7, v0;
	v6 =	vsub.s32 v6, v2  }
0x159: {  	v8 =	vld [tilespmem:s29+$0x1810];
	[tilespmem:s18+$0x5820] =	vst v7;
	v6 =	vmin.u32 v6, v0;
	v4 =	vsub.s32 v4, v2  }
0x15a: {  	v7 =	vld [tilespmem:s29+$0x1820];
	[tilespmem:s18+$0x5830] =	vst v6;
	v4 =	vmin.u32 v4, v0;
	v3 =	vsub.s32 v3, v2  }
0x15b: {  	v6 =	vld [tilespmem:s29+$0x1830];
	[tilespmem:s18+$0x5840] =	vst v4;
	v3 =	vmin.u32 v3, v0;
	v5 =	vsub.s32 v5, v2  }
0x15c: {  	v4 =	vld [tilespmem:s29+$0x1840];
	[tilespmem:s18+$0x5850] =	vst v3;
	v3 =	vmin.u32 v5, v0;
	v10 =	vsub.s32 v10, v2  }
0x15d: {  	v59 =	vld [tilespmem:s29+$0x1850];
	[tilespmem:s18+$0x5860] =	vst v3;
	v3 =	vsub.s32 v58, v2;
	v60 =	vmin.u32 v10, v0  }
0x15e: {  	v61 =	vld [tilespmem:s29+$0x1860];
	v3 =	vmin.u32 v3, v0;
	v8 =	vsub.s32 v8, v2;
	[tilespmem:s29+$0x5870] =	vst v60  }
0x15f: {  	[tilespmem:s29+$0x5800] =	vst v3;
	v3 =	vmin.u32 v8, v0;
	v7 =	vsub.s32 v7, v2  }
0x160: {  	[tilespmem:s29+$0x5810] =	vst v3;
	v3 =	vmin.u32 v7, v0;
	v6 =	vsub.s32 v6, v2  }
0x161: {  	[tilespmem:s29+$0x5820] =	vst v3;
	v3 =	vmin.u32 v6, v0;
	v4 =	vsub.s32 v4, v2  }
0x162: {  	[tilespmem:s29+$0x5830] =	vst v3;
	v3 =	vmin.u32 v4, v0;
	v62 =	vsub.s32 v59, v2  }
0x163: {  	[tilespmem:s29+$0x5840] =	vst v3;
	v3 =	vmin.u32 v62, v0;
	v63 =	vsub.s32 v61, v2  }
0x164: {  	[tilespmem:s29+$0x5850] =	vst v3;
	v3 =	vmin.u32 v63, v0  }
.Ltmp9:
0x165: {  	[tilespmem:s29+$0x5860] =	vst v3;
	(pc) =	sbr.rel @p0 .LBB2_15-.Ltmp9, $4  }
0x166: {  	[spmem:s2] =	stream.indirect.scatter.add.f32 [tilespmem:s3], [sflag:$0xC], $0x1, s19, s8, $0xb8;
	[tilespmem:$0x1F200] =	vst v63  }
0x167: {  	_ =	swait.ge [sflag:s20], $0x800  }
0x168: {  	[sflag:s20] =	ssyncset.done $0x0  }
0x169: {  	[sflag:s20] =	ssyncadd.s32 $0xFFFFF800  }
0x16a: {  	s1 =	sadd.s32 s28, s17  }
.Ltmp10:
0x16b: {  	s1 =	sshrl.u32 s1, $0x3;
	(pc) =	sbr.rel .LBB2_5-.Ltmp10, $4  }
0x16c: {  	s18 =	sadd.s32 s5, s1  }
0x16d: {  	[tilespmem:s8], [sflag:$0x2] =	stream.linear.gather [hbm4b:s18+s4], $0x800, $0x38;
	[tilespmem:$0x1F200] =	vst v63  }
0x16e: {  	s21 =	sadd.s32 $0x1, s21;
	s1 =	sadd.s32 s6, s1  }
0x16f: {  	[tilespmem:s24], [sflag:$0x6] =	stream.linear.gather [hbm4b:s1+s4], $0x800, $0x38;
	[tilespmem:$0x1F200] =	vst v63  }
.LBB2_17:
0x170: {  	_ =	sfence.sel $0x180000  }
0x171: {  	[bflag:$0x0] =	sbarrier.arrive $0xFFFF  }
0x172: {  	_ =	strace $0x90000047  }
0x173: {  	s0 =	stileid.u32;
	[bflag:$0x2] =	sbarrier.arrive $0xFFFF  }
0x174: {  	p0 =	sne.s32 s0, $0x0;
	s0 =	rddreg [dreg:$0x3]  }
0x175: {  	s0 =	sadd.s32 @!p0 $0x100000, s0  }
0x176: {  	[sflag:s0] =	ssyncadd.tile.s32 @!p0 $0x1;
	_ =	shalt  }
.Lfunc_end2:
_tile_overlayer_lowered:
.L_overlay_start_2:
0x177: {  	(tag) =	ssettag $0x2  }
0x178: {  	s0 =	rddreg [dreg:$0x0];
	s2 =	stileid.u32  }
0x179: {  	s1 =	rddreg [dreg:$0x1];
	p0 =	sne.s32 s2, $0x0  }
0x17a: {  	s3 =	rddreg [dreg:$0x2];
	[bflag:$0x3] =	sbarrier.arrive $0xFFFF;
	s2 =	simm.s32 @!p0 $0x1C0D  }
0x17b: {  	[timem:s3], [sflag:s2] =	dma.local @!p0 [hbm:s0], s1  }
0x17c: {  	s0 =	simm.s32 @!p0 $0xD  }
0x17d: {  	_ =	swait.ge @!p0 [sflag:s0], s1  }
0x17e: {  	s1 =	ssub.s32 @!p0 $0x0, s1;
	[sflag:s0] =	ssyncset.done @!p0 $0x0  }
0x17f: {  	[sflag:s0] =	ssyncadd.s32 @!p0 s1  }
0x180: {  	[bflag:$0x3] =	sbarrier.arrive $0xFFFF  }
0x181: {  	_ =	shalt  }

// kernel: sparse-core-data-format-call.cloned.1.call-start
scs
called_computation_lowered:
.L_overlay_start_0:
0x0: {  	s2 =	sld [smem:$0x3FD9]  }
0x1: {  	s3 =	sld [smem:$0x3FFE];
	_ =	sdelay $0x1  }
0x2: {  	s1 =	srdreg.scid  }
0x3: {  	s0 =	sand.u32 $0x1, s1  }
0x4: {  	s18 =	sshll.u32 s0, $0xA;
	s2 =	sadd.s32 s3, s2  }
0x5: {  	s2 =	sadd.s32 s2, s18  }
0x6: {  	[smem:$0x3FC6] =	sst s2  }
0x7: {  	_ = 	snop  }
0x8: {  	s2 =	sld [smem:$0x3FD0];
	(tm) =	ssettm $0x1  }
0x9: {  	s19 =	sld [smem:$0x3FFB];
	_ =	sdelay $0x3  }
0xa: {  	_ =	strace s19  }
0xb: {  	s3 =	sld [smem:$0x3FFC];
	_ =	sdelay $0x3  }
0xc: {  	_ =	strace s3  }
0xd: {  	s3 =	sld [smem:$0x3FFD];
	_ =	sdelay $0x3  }
0xe: {  	_ =	strace s3  }
0xf: {  	_ =	strace $0x8FFFFFFF  }
0x10: {  	s20 =	sld [smem:$0x3FDB];
	_ =	sdelay $0x1  }
0x11: {  	s4 =	simm.s32 $_scs_section_size  }
0x12: {  	s5 =	simm.s32 $_size__tile_overlayer_lowered;
	s6 =	simm.s32 $_tile_overlayer_lowered  }
0x13: {  	s23 =	simm.s32 $0x1BFF;
	s22 =	sshll.u32 s6, $0x1;
	s3 =	sadd.s32 s4, s20  }
0x14: {  	s7 =	simm.s32 $0x0;
	s21 =	sshll.u32 s5, $0x1;
	s5 =	sadd.s32 s22, s3  }
0x15: {  	[timem:s7], [sflag:s23] =	dma.local [hbm:s5], s21  }
0x16: {  	_ =	swait.ge [sflag:s23], s21  }
0x17: {  	s4 =	ssub.s32 $0x0, s21;
	[sflag:s23] =	ssyncset.done $0x0  }
0x18: {  	[sflag:s23] =	ssyncadd.s32 s4;
	_ =	sdelay $0x1  }
0x19: {  	s24 =	simm.s32 $0x1B8B  }
0x1a: {  	_ =	swait.ge [sflag:s24], $0x1  }
0x1b: {  	[sflag:s24] =	ssyncset.done $0x0  }
0x1c: {  	s26 =	simm.s32 $0x1B8E;
	s25 =	sld [smem:$0x3FFE];
	[sflag:s24] =	ssyncadd.s32 $0xFFFFFFFF  }
0x1d: {  	s27 =	simm.s32 $execute0_lowered;
	[smem:$0x3FD2] =	sst s26  }
0x1e: {  	s5 =	sshll.u32 s27, $0x1;
	_ =	strace $0x80000049;
	[dreg:$0x1] =	wrdreg $0xFFFFFFFF  }
0x1f: {  	s28 =	simm.s32 $_size_execute0_lowered;
	s3 =	sadd.s32 s3, s5;
	[dreg:$0x0] =	wrdreg $0x0  }
0x20: {  	s5 =	sshll.u32 s28, $0x1;
	[dreg:$0x2] =	wrdreg s3  }
0x21: {  	[dreg:$0x3] =	wrdreg s5  }
0x22: {  	[dreg:$0x4] =	wrdreg $0xC0  }
0x23: {  	_ =	task [dreg:s7], $0x5FFFF  }
0x24: {  	[dreg:$0x1] =	wrdreg $0xFFFFFFFF  }
0x25: {  	[dreg:$0x0] =	wrdreg $0x60  }
0x26: {  	[dreg:$0x2] =	wrdreg s25  }
0x27: {  	[dreg:$0x3] =	wrdreg s2  }
0x28: {  	[dreg:$0x4] =	wrdreg $0x9  }
0x29: {  	_ =	task.clear_ibuf [dreg:s7], $0x5FFFF;
	_ =	strace $0x90000049  }
0x2a: {  	s29 =	simm.s32 $0x9;
	_ =	strace $0x8000004B  }
0x2b: {  	_ =	swait.ge [sflag:s29], $0x1  }
0x2c: {  	[sflag:s29] =	ssyncadd.s32 $0xFFFFFFFF  }
0x2d: {  	_ =	strace $0x9000004B  }
0x2e: {  	_ =	sfence  }
0x2f: {  	s30 =	sld [smem:$0x0];
	_ =	sdelay $0x2  }
0x30: {  	s31 =	sshll.u32 s1, $0xD;
	s1 =	sshrl.u32 s1, $0x2  }
0x31: {  	s3 =	sand.u32 $0x4000, s31;
	s1 =	sadd.s32 s1, s30  }
0x32: {  	s0 =	sor.u32 s3, s0;
	s1 =	sshll.u32 s1, $0x11  }
0x33: {  	s0 =	sor.u32 s1, s0  }
0x34: {  	s0 =	sadd.s32 $0x8F2B, s0  }
0x35: {  	[sflag:s0] =	ssyncadd.remote.s32 $0x1  }
0x36: {  	_ =	sfence.sel $0xFFFF  }
0x37: {  	[dreg:$0x0] =	wrdreg $0xFFFFFFFF;
	(pc) =	sbr.abs _section_cstart, $3  }
0x38: {  	[dreg:$0x1] =	wrdreg $0xFFFFFFFF  }
0x39: {  	_ =	task.clear_ibuf [dreg:s7], $0x2FFFF;
	_ =	strace $0x9FFFFFFF  }
0x3a: {  	(tm) =	ssettm $0x7FFFFFFF  }
0x3b: {  	_ =	shalt  }
tec
execute0_lowered:
.L_overlay_start_1:
0x0: {  	(tag) =	ssettag $0x1  }
0x1: {  	s3 =	rddreg [dreg:$0x0]  }
0x2: {  	s2 =	rddreg [dreg:$0x1]  }
0x3: {  	s1 =	srdreg.scid;
	s0 =	rddreg [dreg:$0x2];
	_ =	strace $0x8000004A  }
0x4: {  	s7 =	simm.s32 $0x2;
	s15 =	simm.s32 $0x0;
	p0 =	por $0x0, $0x0  }
0x5: {  	s16 =	simm.s32 $0x0;
	s17 =	simm.s32 $0x0;
	s8 =	simm.s32 $0x0  }
0x6: {  	s10 =	simm.s32 $0x0;
	s11 =	simm.s32 $0x0;
	s12 =	simm.s32 $0x0  }
.Ltmp0:
0x7: {  	s9 =	simm.s32 $0x0;
	s4 =	sshll.u32 s1, $0x4;
	(pc) =	sbr.rel .LBB1_1-.Ltmp0, $4  }
0x8: {  	s1 =	stileid.u32;
	s3 =	sadd.s32 $0x800, s3;
	s4 =	sand.u32 $0x10, s4  }
0x9: {  	s5 =	sand.u32 $0x3, s1;
	s6 =	sor.u32 s1, s4;
	s4 =	simm.s32 $0x1  }
0xa: {  	s14 =	smov.u32 s5;
	[sflag:s4] =	ssyncpa.u1 $0x0;
	s6 =	sshrl.u32 s6, $0x2  }
0xb: {  	[sflag:s7] =	ssyncpa.u1 $0x0;
	s7 =	simm.s32 $0x1000;
	s13 =	smov.u32 s6  }
.LBB1_5:
0xc: {  	p1 =	slt.u32 s9, $0x2;
	s18 =	smov.u32 s17  }
0xd: {  	p2 =	sgt.s32 @!p1 s17, $0x3;
	s19 =	sshra.s32 @!p1 s17, $0x1F;
	s20 =	sshra.s32 @!p1 s16, $0x1F  }
0xe: {  	p2 =	por !p2, p1;
	s17 =	sand.u32 @!p1 s19, s17;
	s19 =	smov.u32 s16  }
0xf: {  	s18 =	simm.s32 @p2 $0x3;
	p2 =	sgt.s32 @!p1 s16, $0x1FF;
	s16 =	sand.u32 @!p1 s20, s16  }
0x10: {  	s20 =	sshra.s32 @!p1 s15, $0x1F;
	s17 =	ssub.s32 @!p1 s18, s17;
	p3 =	por !p2, p1  }
0x11: {  	s18 =	sadd.s32 @!p1 $0xFFFFFFFD, s17;
	s19 =	simm.s32 @p3 $0x1FF;
	s17 =	ssub.s32 @!p1 $0x4, s17  }
0x12: {  	p3 =	sgt.s32 @!p1 s15, $0x180;
	p2 =	sgt.s32 @!p1 s18, $0x0;
	s16 =	ssub.s32 @!p1 s19, s16  }
0x13: {  	p3 =	por !p3, p1;
	s19 =	smov.u32 s15;
	s15 =	sand.u32 @!p1 s20, s15  }
0x14: {  	s17 =	smul.u32 @!p1 $0x60, s17;
	s18 =	sadd.s32 @!p1 $0xFFFFFE01, s16;
	s19 =	simm.s32 @p3 $0x180  }
0x15: {  	s16 =	ssub.s32 @!p1 $0x200, s16;
	p3 =	sgt.s32 @!p1 s18, $0x0;
	s15 =	ssub.s32 @!p1 s19, s15  }
0x16: {  	p2 =	por !p2, p1;
	p3 =	por !p3, p1;
	s18 =	sadd.s32 @!p1 $0xFFFFFE80, s15  }
0x17: {  	s17 =	simm.s32 @!p2 $0x0;
	s16 =	simm.s32 @!p3 $0x0;
	p3 =	sgt.s32 @!p1 s18, $0x7F  }
0x18: {  	s15 =	ssub.s32 @!p1 $0x200, s15;
	p2 =	por !p3, p1;
	s16 =	smul.u32 @!p1 s16, s17  }
0x19: {  	s19 =	smov.u32 s13;
	s18 =	sadd.s32 $0x80, s12;
	s15 =	simm.s32 @!p2 $0x0  }
0x1a: {  	p2 =	sgt.s32 s18, $0x1FF;
	s15 =	smul.u32 @!p1 s15, s16;
	s16 =	sadd.s32 $0x8, s13  }
0x1b: {  	s19 =	smov.u32 @p2 s16  }
0x1c: {  	s21 =	smov.u32 s14;
	s16 =	sadd.s32 $0x4, s14;
	p3 =	sgt.s32 s19, $0x1FF  }
0x1d: {  	s9 =	sadd.s32 $0x1, s9;
	p0 =	por !p0, !p0;
	s21 =	smov.u32 @p3 s16  }
0x1e: {  	s20 =	simm.s32 @!p1 $0x2;
	s18 =	simm.s32 @p2 $0x0;
	p2 =	sgt.s32 s21, $0x3  }
0x1f: {  	s17 =	smov.u32 s11;
	s21 =	smov.u32 @p2 s5;
	p2 =	sne.s32 s9, $0x102  }
.Ltmp1:
0x20: {  	s11 =	smov.u32 s14;
	s15 =	sand.u32 @!p1 $0x3FFFFFE0, s15;
	(pc) =	sbr.rel @!p2 .LBB1_6-.Ltmp1, $4  }
0x21: {  	_ =	swait.ge @!p1 [sflag:s20], s15;
	s22 =	ssub.s32 @!p1 $0x0, s15;
	s15 =	smov.u32 s8  }
0x22: {  	s16 =	smov.u32 s10;
	s19 =	smov.u32 @p3 s6;
	s8 =	smov.u32 s12  }
0x23: {  	s10 =	smov.u32 s13;
	s12 =	smov.u32 s18;
	[sflag:s20] =	ssyncset.done @!p1 $0x0  }
0x24: {  	s13 =	smov.u32 s19;
	[sflag:s20] =	ssyncadd.s32 @!p1 s22;
	s14 =	smov.u32 s21  }
.LBB1_1:
0x25: {  	p1 =	sgt.u32 s9, $0xFF  }
0x26: {  	s18 =	sxor.u32 @!p1 $0xFFFFFFFF, s9;
	s19 =	sshll.u32 @!p1 s14, $0x16  }
0x27: {  	s20 =	sshll.u32 @!p1 s13, $0xD;
	s21 =	sshll.u32 @!p1 s12, $0x4;
	s19 =	sadd.s32 @!p1 s3, s19  }
0x28: {  	s18 =	sshll.u32 @!p1 s18, $0xE;
	s21 =	sand.u32 @!p1 $0x1FF0, s21;
	s19 =	sadd.s32 @!p1 s20, s19  }
0x29: {  	s18 =	sand.u32 @!p1 $0x4000, s18;
	s20 =	simm.s32 @!p1 $0x0;
	s19 =	sadd.s32 @!p1 s21, s19  }
0x2a: {  	[tilespmem:s18], [sflag:$0x1] =	stream.linear.gather @!p1 [hbm4b:s19+s20], $0x4000, $0x38;
	[tilespmem:$0x10100] =	vst v63  }
0x2b: {  	p1 =	seq.s32 s9, $0x0  }
0x2c: {  	p2 =	seq.s32 @!p1 s9, $0x101  }
0x2d: {  	p1 =	por p1, p2  }
.Ltmp2:
0x2e: {  	_ = 	snop;
	(pc) =	sbr.rel @p1 .LBB1_5-.Ltmp2, $1  }
0x2f: {  	_ =	sdelay $0x3  }
0x30: {  	s18 =	simm.s32 $0x1  }
0x31: {  	_ =	swait.ge [sflag:s4], $0x4000;
	s18 =	simm.s32 @!p0 $0x0  }
0x32: {  	[sflag:s4] =	ssyncset.done $0x0;
	s19 =	sshll.u32 s18, $0xE  }
0x33: {  	[sflag:s4] =	ssyncadd.s32 $0xFFFFC000;
	s19 =	sor.u32 $0x40, s19  }
0x34: {  	s18 =	smul.u32 $0x10200, s18;
	v0 =	vld [tilespmem:s19+$0x30]  }
0x35: {  	v1 =	vld [tilespmem:s19+$0xFFFFFFD0]  }
0x36: {  	s18 =	sshrl.u32 s18, $0x2;
	v5 =	vld [tilespmem:s19+$0xFFFFFFE0]  }
0x37: {  	v6 =	vld [tilespmem:s19+$0xFFFFFFF0];
	s21 =	sor.u32 $0x8000, s18  }
0x38: {  	s31 =	sand.u32 $0x1, s9;
	v4 =	vld [tilespmem:s19+$0x0];
	s20 =	sadd.s32 $0x0, s21  }
0x39: {  	v3 =	vld [tilespmem:s19+$0x10];
	s18 =	smul.u32 $0x10200, s31;
	[tilespmem:s20+$0x3870 ss:$0x81] =	vst.msk $0xffff, v0  }
0x3a: {  	v2 =	vld [tilespmem:s19+$0x20];
	[tilespmem:s20+$0x810 ss:$0x81] =	vst.msk $0xffff, v1  }
0x3b: {  	s18 =	sshrl.u32 s18, $0x2;
	v1 =	vld [tilespmem:s19+$0xFFFFFFC0];
	[tilespmem:s20+$0x1020 ss:$0x81] =	vst.msk $0xffff, v5;
	s19 =	sadd.s32 $0x80, s19  }
0x3c: {  	s22 =	simm.s32 $0x4;
	s23 =	simm.s32 $0x8;
	s18 =	sor.u32 $0x8000, s18;
	[tilespmem:s20+$0x1830 ss:$0x81] =	vst.msk $0xffff, v6;
	v0 =	vld [tilespmem:s19+$0x30]  }
.LBB1_3:
0x3d: {  	p1 =	sne.s32 s23, $0x1FC;
	v5 =	vld [tilespmem:s19+$0xFFFFFFD0];
	[tilespmem:s20+$0x2040 ss:$0x81] =	vst.msk $0xffff, v4  }
0x3e: {  	v6 =	vld [tilespmem:s19+$0xFFFFFFE0];
	[tilespmem:s20+$0x2850 ss:$0x81] =	vst.msk $0xffff, v3  }
0x3f: {  	s24 =	sshra.s32 s22, $0x2;
	s22 =	smov.u32 s23;
	v7 =	vld [tilespmem:s19+$0xFFFFFFF0];
	[tilespmem:s20+$0x3060 ss:$0x81] =	vst.msk $0xffff, v2  }
.Ltmp3:
0x40: {  	v4 =	vld [tilespmem:s19+$0x0];
	[tilespmem:s20+$0x0 ss:$0x81] =	vst.msk $0xffff, v1;
	s20 =	sadd.s32 s24, s21;
	(pc) =	sbr.rel @p1 .LBB1_3-.Ltmp3, $4  }
0x41: {  	v3 =	vld [tilespmem:s19+$0x10];
	[tilespmem:s20+$0x3870 ss:$0x81] =	vst.msk $0xffff, v0  }
0x42: {  	[tilespmem:s20+$0x810 ss:$0x81] =	vst.msk $0xffff, v5;
	v2 =	vld [tilespmem:s19+$0x20]  }
0x43: {  	v1 =	vld [tilespmem:s19+$0xFFFFFFC0];
	[tilespmem:s20+$0x1020 ss:$0x81] =	vst.msk $0xffff, v6;
	s19 =	sadd.s32 $0x80, s19  }
0x44: {  	s23 =	sadd.s32 $0x4, s23;
	v0 =	vld [tilespmem:s19+$0x30];
	[tilespmem:s20+$0x1830 ss:$0x81] =	vst.msk $0xffff, v7  }
0x45: {  	s22 =	sshra.s32 s22, $0x2;
	s30 =	sshrl.u32 s8, $0x6;
	p1 =	sgt.s32 s11, $0x3  }
0x46: {  	s23 =	smov.u32 s11;
	s24 =	sshra.s32 s11, $0x1F;
	s26 =	sshra.s32 s10, $0x1F  }
0x47: {  	p2 =	sgt.s32 s8, $0x180;
	s28 =	sshra.s32 s8, $0x1F;
	s21 =	sadd.s32 s22, s21  }
0x48: {  	s22 =	sand.u32 $0x7FFFFE, s30;
	s23 =	simm.s32 @!p1 $0x3;
	s24 =	sand.u32 s24, s11  }
0x49: {  	p1 =	sgt.s32 s10, $0x1FF;
	s26 =	sand.u32 s26, s10;
	s30 =	sand.u32 s28, s8  }
0x4a: {  	s28 =	sshrl.u32 s8, $0x3;
	s25 =	smulhi.u32 $0x2AAAAAB, s22;
	s23 =	ssub.s32 s23, s24  }
0x4b: {  	v5 =	vld [tilespmem:s19+$0xFFFFFFD0];
	[tilespmem:s20+$0x2040 ss:$0x81] =	vst.msk $0xffff, v4;
	s24 =	smov.u32 s10;
	s27 =	sadd.s32 $0xFFFFFFFD, s23;
	s23 =	ssub.s32 $0x4, s23  }
0x4c: {  	v58 =	vld [tilespmem:s19+$0xFFFFFFE0];
	[tilespmem:s20+$0x2850 ss:$0x81] =	vst.msk $0xffff, v3;
	s24 =	simm.s32 @!p1 $0x1FF;
	p1 =	sgt.s32 s27, $0x0;
	s23 =	smul.u32 $0x60, s23  }
0x4d: {  	v59 =	vld [tilespmem:s19+$0xFFFFFFF0];
	[tilespmem:s20+$0x3060 ss:$0x81] =	vst.msk $0xffff, v2;
	s24 =	ssub.s32 s24, s26;
	s26 =	smov.u32 s8;
	s29 =	smul.u32 $0x60, s25  }
0x4e: {  	v60 =	vld [tilespmem:s19+$0x0];
	[tilespmem:s20+$0x0 ss:$0x81] =	vst.msk $0xffff, v1;
	s27 =	smul.u32 $0x1800, s10;
	s31 =	sadd.s32 $0xFFFFFE01, s24;
	s26 =	simm.s32 @!p2 $0x180  }
0x4f: {  	v61 =	vld [tilespmem:s19+$0x10];
	[tilespmem:s21+$0x3870 ss:$0x81] =	vst.msk $0xffff, v0;
	s24 =	ssub.s32 $0x200, s24;
	p2 =	sgt.s32 s31, $0x0;
	s25 =	ssub.s32 s26, s30  }
0x50: {  	v62 =	vld [tilespmem:s19+$0x20];
	[tilespmem:s21+$0x810 ss:$0x81] =	vst.msk $0xffff, v5;
	s23 =	simm.s32 @p1 $0x0;
	s26 =	smul.u32 $0x300000, s11;
	s20 =	ssub.s32 s22, s29  }
0x51: {  	v63 =	vld [tilespmem:s19+$0xFFFFFFC0];
	[tilespmem:s21+$0x1020 ss:$0x81] =	vst.msk $0xffff, v58;
	s29 =	sand.u32 $0x7, s8;
	s24 =	simm.s32 @p2 $0x0;
	s31 =	sadd.s32 $0xFFFFFE80, s25  }
0x52: {  	[tilespmem:s21+$0x1830 ss:$0x81] =	vst.msk $0xffff, v59;
	s19 =	ssub.s32 $0x200, s25;
	s23 =	smul.u32 s24, s23;
	p1 =	sgt.s32 s31, $0x7F  }
.Ltmp4:
0x53: {  	[tilespmem:s21+$0x2040 ss:$0x81] =	vst.msk $0xffff, v60;
	s24 =	sadd.s32 s2, s26;
	s19 =	simm.s32 @p1 $0x0;
	(pc) =	sbr.rel .LBB1_5-.Ltmp4, $4  }
0x54: {  	[tilespmem:s21+$0x2850 ss:$0x81] =	vst.msk $0xffff, v61;
	s22 =	sadd.s32 s27, s24;
	s19 =	smul.u32 s19, s23;
	s23 =	sand.u32 $0xF, s28  }
0x55: {  	[tilespmem:s21+$0x3060 ss:$0x81] =	vst.msk $0xffff, v62;
	s20 =	sshll.u32 s20, $0x6;
	s30 =	sshll.u32 s29, $0x12;
	s22 =	sadd.s32 s23, s22  }
0x56: {  	[tilespmem:s21+$0x0 ss:$0x81] =	vst.msk $0xffff, v63;
	s31 =	sor.u32 $0x400, s30;
	s19 =	sand.u32 $0x3FFFFFE0, s19;
	s20 =	sadd.s32 s20, s22  }
0x57: {  	[hbm4b:s20+s31] =	stream.strided.scatter [tilespmem:s18], [sflag:$0x2], s19, s7, s31, $0x20;
	[tilespmem:$0x10100] =	vst v63  }
.LBB1_6:
0x58: {  	_ =	sfence.sel $0x180000  }
0x59: {  	s2 =	simm.s32 $0x1;
	[bflag:$0x0] =	sbarrier.arrive $0xFFFF  }
0x5a: {  	s31 =	simm.s32 $0x2;
	[sflag:s2] =	ssyncpa.u1 $0x1  }
0x5b: {  	[sflag:s31] =	ssyncpa.u1 $0x1  }
0x5c: {  	p0 =	sne.s32 s1, $0x0;
	_ =	strace $0x9000004A  }
0x5d: {  	s0 =	sadd.s32 @!p0 $0x100000, s0;
	[bflag:$0x2] =	sbarrier.arrive $0xFFFF  }
0x5e: {  	[sflag:s0] =	ssyncadd.tile.s32 @!p0 $0x1;
	_ =	shalt  }
.Lfunc_end1:
_tile_overlayer_lowered:
.L_overlay_start_2:
0x5f: {  	(tag) =	ssettag $0x2  }
0x60: {  	s0 =	rddreg [dreg:$0x0];
	s2 =	stileid.u32  }
0x61: {  	s1 =	rddreg [dreg:$0x1];
	p0 =	sne.s32 s2, $0x0  }
0x62: {  	s3 =	rddreg [dreg:$0x2];
	[bflag:$0x3] =	sbarrier.arrive $0xFFFF;
	s2 =	simm.s32 @!p0 $0x1C01  }
0x63: {  	[timem:s3], [sflag:s2] =	dma.local @!p0 [hbm:s0], s1  }
0x64: {  	s0 =	simm.s32 @!p0 $0x1  }
0x65: {  	_ =	swait.ge @!p0 [sflag:s0], s1  }
0x66: {  	s1 =	ssub.s32 @!p0 $0x0, s1;
	[sflag:s0] =	ssyncset.done @!p0 $0x0  }
0x67: {  	[sflag:s0] =	ssyncadd.s32 @!p0 s1  }
0x68: {  	[bflag:$0x3] =	sbarrier.arrive $0xFFFF  }
0x69: {  	_ =	shalt  }

</sc_bundles>
